<compile_context>
chip_gen: v7x
topology: tpu7x:2x2x1
jax: 0.10.2.dev20260603
libtpu: 0.0.44.dev20260713+nightly
codegen_flags: <defaults>
</compile_context>

<pallas_src>
import functools

import jax
import jax.numpy as jnp
import numpy as np
from jax.experimental import pallas as pl
from jax.experimental.pallas import tpu as pltpu

N = 2000
R = 400
NB = N // R
CH = 128
TOPK = 200
SIG2 = np.float32(0.1 ** 2)
NEG = np.float32(-np.inf)


def _fcg_sv_body(src_r, tgt_r, srcT, tgtT, fcg_out, sv_out, vals):
    i = pl.program_id(0)

    def dist(own, allT):
        d2 = None
        for c in range(3):
            a = own[:, c:c + 1]
            b = allT[c:c + 1, :]
            e = a - b
            d2 = e * e if d2 is None else d2 + e * e
        return jnp.sqrt(jnp.maximum(d2, 0.0))

    pd = dist(src_r[...], srcT[...]) - dist(tgt_r[...], tgtT[...])
    fcg = jnp.maximum(1.0 - (pd * pd) / SIG2, 0.0)
    rows = i * R + jax.lax.broadcasted_iota(jnp.int32, (R, N), 0)
    cols = jax.lax.broadcasted_iota(jnp.int32, (R, N), 1)
    fcg = fcg * (1.0 - (rows == cols).astype(jnp.float32))
    fcg_out[...] = fcg
    vals[...] = fcg
    sv_out[...] = jnp.zeros((R, TOPK), jnp.float32)

    lane = jax.lax.broadcasted_iota(jnp.int32, (R, TOPK), 1)
    m0 = jnp.max(fcg, axis=1, keepdims=True)

    def body(it, carry):
        m, tpos = carry
        v = vals[...]
        eq = v == m
        w = jnp.where(eq, NEG, v)
        vals[...] = w
        cnt = jnp.sum(eq.astype(jnp.int32), axis=1, keepdims=True)
        mnext = jnp.max(w, axis=1, keepdims=True)
        mv = jnp.maximum(m, 0.0)
        win = (lane >= tpos) & (lane < tpos + cnt)
        sv_out[...] += jnp.where(win, mv, 0.0)
        return (mnext, tpos + cnt)

    jax.lax.fori_loop(0, TOPK, body,
                      (m0, jnp.zeros((R, 1), jnp.int32)))


def _fcg_sv(srcp, tgtp, srcT, tgtT):
    return pl.pallas_call(
        _fcg_sv_body,
        grid=(NB,),
        in_specs=[
            pl.BlockSpec((R, 3), lambda i: (i, 0)),
            pl.BlockSpec((R, 3), lambda i: (i, 0)),
            pl.BlockSpec((3, N), lambda i: (0, 0)),
            pl.BlockSpec((3, N), lambda i: (0, 0)),
        ],
        out_specs=[
            pl.BlockSpec((R, N), lambda i: (i, 0)),
            pl.BlockSpec((R, TOPK), lambda i: (i, 0)),
        ],
        out_shape=[
            jax.ShapeDtypeStruct((N, N), jnp.float32),
            jax.ShapeDtypeStruct((N, TOPK), jnp.float32),
        ],
        scratch_shapes=[pltpu.VMEM((R, N), jnp.float32)],
        compiler_params=pltpu.CompilerParams(dimension_semantics=("parallel",)),
    )(srcp, tgtp, srcT, tgtT)


def _h_body(thr, fa, fb, h_out, nnz_out):
    t = thr[0, 0]
    a = fa[...]
    a = jnp.where(a < t, 0.0, a)
    b = fb[...]
    b = jnp.where(b < t, 0.0, b)
    h = jnp.dot(a, b, preferred_element_type=jnp.float32) * a
    h_out[...] = h
    cnt = jnp.sum((h > 0).astype(jnp.float32))

    @pl.when(pl.program_id(0) == 0)
    def _():
        nnz_out[...] = jnp.zeros_like(nnz_out)

    nnz_out[...] += cnt


def _h_matmul(fcg, thresh):
    return pl.pallas_call(
        _h_body,
        grid=(NB,),
        in_specs=[
            pl.BlockSpec(memory_space=pltpu.SMEM),
            pl.BlockSpec((R, N), lambda i: (i, 0)),
            pl.BlockSpec((N, N), lambda i: (0, 0)),
        ],
        out_specs=[
            pl.BlockSpec((R, N), lambda i: (i, 0)),
            pl.BlockSpec((8, 128), lambda i: (0, 0)),
        ],
        out_shape=[
            jax.ShapeDtypeStruct((N, N), jnp.float32),
            jax.ShapeDtypeStruct((8, 128), jnp.float32),
        ],
    )(thresh, fcg, fcg)


def _adj_row(hblk, flag, i):
    a = (hblk > 0).astype(jnp.float32)
    rows = i * R + jax.lax.broadcasted_iota(jnp.int32, (R, N), 0)
    cols = jax.lax.broadcasted_iota(jnp.int32, (R, N), 1)
    eye = (rows == cols).astype(jnp.float32)
    return jnp.where(flag > 0, a, eye)


def _esum_body(flag, hb, xfull, w_in, b_in, esum_out, deg_out):
    i = pl.program_id(0)
    a = _adj_row(hb[...], flag[0, 0], i)
    h = jnp.maximum(jnp.dot(xfull[...], w_in[...],
                            preferred_element_type=jnp.float32)
                    + b_in[0:1, :], 0.0)
    esum_out[...] = jnp.dot(a, h, preferred_element_type=jnp.float32)
    deg_out[...] = jnp.sum(a, axis=1, keepdims=True) + jnp.zeros((R, CH), jnp.float32)


def _esum(flag, H, xp, w_inp, b_in8):
    return pl.pallas_call(
        _esum_body,
        grid=(NB,),
        in_specs=[
            pl.BlockSpec(memory_space=pltpu.SMEM),
            pl.BlockSpec((R, N), lambda i: (i, 0)),
            pl.BlockSpec((N, 8), lambda i: (0, 0)),
            pl.BlockSpec((8, CH), lambda i: (0, 0)),
            pl.BlockSpec((8, CH), lambda i: (0, 0)),
        ],
        out_specs=[
            pl.BlockSpec((R, CH), lambda i: (i, 0)),
            pl.BlockSpec((R, CH), lambda i: (i, 0)),
        ],
        out_shape=[
            jax.ShapeDtypeStruct((N, CH), jnp.float32),
            jax.ShapeDtypeStruct((N, CH), jnp.float32),
        ],
        compiler_params=pltpu.CompilerParams(dimension_semantics=("parallel",)),
    )(flag, H, xp, w_inp, b_in8)


def _msum_body(flag, hb, esum, deg, msum_out):
    i = pl.program_id(0)
    a = _adj_row(hb[...], flag[0, 0], i)
    emean = esum[...] / jnp.maximum(deg[...][:, 0:1], 1.0)
    msum_out[...] = jnp.dot(a, emean, preferred_element_type=jnp.float32)


def _msum(flag, H, esum, deg):
    return pl.pallas_call(
        _msum_body,
        grid=(NB,),
        in_specs=[
            pl.BlockSpec(memory_space=pltpu.SMEM),
            pl.BlockSpec((R, N), lambda i: (i, 0)),
            pl.BlockSpec((N, CH), lambda i: (0, 0)),
            pl.BlockSpec((N, CH), lambda i: (0, 0)),
        ],
        out_specs=pl.BlockSpec((R, CH), lambda i: (i, 0)),
        out_shape=jax.ShapeDtypeStruct((N, CH), jnp.float32),
        compiler_params=pltpu.CompilerParams(dimension_semantics=("parallel",)),
    )(flag, H, esum, deg)


def _mlp_body(bo, xi, w_in, b_in, msumi, degi, w_hid, b_hid, w_outp,
              h2_out, log_out):
    hk = jnp.maximum(jnp.dot(xi[...], w_in[...],
                             preferred_element_type=jnp.float32)
                     + b_in[0:1, :], 0.0)
    m = msumi[...] / jnp.maximum(degi[...][:, 0:1], 1.0)
    h2 = jnp.maximum(jnp.dot(hk + m, w_hid[...],
                             preferred_element_type=jnp.float32)
                     + b_hid[0:1, :], 0.0)
    h2_out[...] = h2
    log_out[...] = jnp.dot(h2, w_outp[...],
                           preferred_element_type=jnp.float32) + bo[0, 0]


def _mlp(b_out, xp, w_inp, b_in8, msum, deg, w_hid, b_hid8, w_outp):
    return pl.pallas_call(
        _mlp_body,
        grid=(NB,),
        in_specs=[
            pl.BlockSpec(memory_space=pltpu.SMEM),
            pl.BlockSpec((R, 8), lambda i: (i, 0)),
            pl.BlockSpec((8, CH), lambda i: (0, 0)),
            pl.BlockSpec((8, CH), lambda i: (0, 0)),
            pl.BlockSpec((R, CH), lambda i: (i, 0)),
            pl.BlockSpec((R, CH), lambda i: (i, 0)),
            pl.BlockSpec((CH, CH), lambda i: (0, 0)),
            pl.BlockSpec((8, CH), lambda i: (0, 0)),
            pl.BlockSpec((CH, CH), lambda i: (0, 0)),
        ],
        out_specs=[
            pl.BlockSpec((R, CH), lambda i: (i, 0)),
            pl.BlockSpec((R, CH), lambda i: (i, 0)),
        ],
        out_shape=[
            jax.ShapeDtypeStruct((N, CH), jnp.float32),
            jax.ShapeDtypeStruct((N, CH), jnp.float32),
        ],
        compiler_params=pltpu.CompilerParams(dimension_semantics=("parallel",)),
    )(b_out, xp, w_inp, b_in8, msum, deg, w_hid, b_hid8, w_outp)


def _m_body(s2, ai, bfull, m_out):
    i = pl.program_id(0)
    acc = jax.lax.dot_general(ai[...], bfull[...], (((1,), (1,)), ((), ())),
                              preferred_element_type=jnp.float32)
    v = jnp.clip(1.0 - (1.0 - acc) / s2[0, 0], 0.0, 1.0)
    rows = i * R + jax.lax.broadcasted_iota(jnp.int32, (R, N), 0)
    cols = jax.lax.broadcasted_iota(jnp.int32, (R, N), 1)
    m_out[...] = v * (1.0 - (rows == cols).astype(jnp.float32))


def _m_matmul(sig2, h2):
    return pl.pallas_call(
        _m_body,
        grid=(NB,),
        in_specs=[
            pl.BlockSpec(memory_space=pltpu.SMEM),
            pl.BlockSpec((R, CH), lambda i: (i, 0)),
            pl.BlockSpec((N, CH), lambda i: (0, 0)),
        ],
        out_specs=pl.BlockSpec((R, N), lambda i: (i, 0)),
        out_shape=jax.ShapeDtypeStruct((N, N), jnp.float32),
        compiler_params=pltpu.CompilerParams(dimension_semantics=("parallel",)),
    )(sig2, h2, h2)


def _deg_nbr_body(hb, conf8, d_out, nbr_out):
    hblk = hb[...]
    mg = (hblk + hblk) > 1.0
    d = jnp.sum(mg.astype(jnp.float32), axis=1, keepdims=True)
    d_out[...] = d + jnp.zeros((R, CH), jnp.float32)
    c = conf8[...][0:1, :]
    nbr = jnp.max(jnp.where(mg, c, NEG), axis=1, keepdims=True)
    nbr_out[...] = nbr + jnp.zeros((R, CH), jnp.float32)


def _deg_nbr(H, conf8):
    return pl.pallas_call(
        _deg_nbr_body,
        grid=(NB,),
        in_specs=[
            pl.BlockSpec((R, N), lambda i: (i, 0)),
            pl.BlockSpec((8, N), lambda i: (0, 0)),
        ],
        out_specs=[
            pl.BlockSpec((R, CH), lambda i: (i, 0)),
            pl.BlockSpec((R, CH), lambda i: (i, 0)),
        ],
        out_shape=[
            jax.ShapeDtypeStruct((N, CH), jnp.float32),
            jax.ShapeDtypeStruct((N, CH), jnp.float32),
        ],
        compiler_params=pltpu.CompilerParams(dimension_semantics=("parallel",)),
    )(H, conf8)


def _xyz_body(hb, d8, di, xyz_out):
    hblk = hb[...]
    mg = ((hblk + hblk) > 1.0).astype(jnp.float32)
    mvd = jnp.sum(mg * d8[...][0:1, :], axis=1, keepdims=True)
    drow = di[...][:, 0:1]
    xyz_out[...] = (drow * drow - mvd) + jnp.zeros((R, CH), jnp.float32)


def _xyz_k(H, d8, dcol):
    return pl.pallas_call(
        _xyz_body,
        grid=(NB,),
        in_specs=[
            pl.BlockSpec((R, N), lambda i: (i, 0)),
            pl.BlockSpec((8, N), lambda i: (0, 0)),
            pl.BlockSpec((R, CH), lambda i: (i, 0)),
        ],
        out_specs=pl.BlockSpec((R, CH), lambda i: (i, 0)),
        out_shape=jax.ShapeDtypeStruct((N, CH), jnp.float32),
        compiler_params=pltpu.CompilerParams(dimension_semantics=("parallel",)),
    )(H, d8, dcol)


_PROBES = 9


def _slot_of(occ, mask, h):
    js = jnp.arange(_PROBES + 1, dtype=jnp.int32)

    def cond_fn(st):
        return st[2] < 0

    def body_fn(st):
        i, perturb, _ = st
        valid = (js == 0) | (i + _PROBES <= mask)
        idxs = jnp.minimum(i + js, jnp.int32(occ.shape[0] - 1))
        hit = valid & jnp.logical_not(occ[idxs])
        jhit = jnp.min(jnp.where(hit, js, jnp.int32(_PROBES + 1)))
        found = jhit <= _PROBES
        slot = jnp.where(found, i + jhit, jnp.int32(-1))
        p2 = perturb >> 5
        i2 = (i * 5 + 1 + p2) & mask
        return (jnp.where(found, i, i2), jnp.where(found, perturb, p2), slot)

    st = jax.lax.while_loop(cond_fn, body_fn, (h & mask, h, jnp.int32(-1)))
    return st[2]


def _hset_add(keys, occ, mask, k):
    slot = _slot_of(occ, mask, k)
    return keys.at[slot].set(k), occ.at[slot].set(True)


def _hset_resize(keys, occ, newmask):
    def body(s, st):
        def ins(st_):
            return _hset_add(st_[0], st_[1], newmask, keys[s])

        return jax.lax.cond(occ[s], ins, lambda st_: st_, st)

    empty = (jnp.zeros_like(keys), jnp.zeros_like(occ))
    return jax.lax.fori_loop(0, occ.shape[0], body, empty)


def _hset_sim(elems, count):
    size = 512
    keys = jnp.zeros((size,), jnp.int32)
    occ = jnp.zeros((size,), bool)

    def seg(keys, occ, mask, lo, hi):
        def body(t, ko):
            k, o = ko
            slot = _slot_of(o, jnp.int32(mask), elems[t])
            slot = jnp.where(t < count, slot, jnp.int32(size))
            return (k.at[slot].set(elems[t], mode='drop'),
                    o.at[slot].set(True, mode='drop'))

        return jax.lax.fori_loop(lo, hi, body, (keys, occ))

    def resize(keys, occ, newmask, nkeys):
        order = jnp.cumsum(occ.astype(jnp.int32)) - 1
        compact = jnp.zeros((size,), jnp.int32).at[
            jnp.where(occ, order, jnp.int32(size))].set(keys, mode='drop')

        def body(s, ko):
            return _hset_add(ko[0], ko[1], jnp.int32(newmask), compact[s])

        empty = (jnp.zeros_like(keys), jnp.zeros_like(occ))
        return jax.lax.fori_loop(0, nkeys, body, empty)

    keys, occ = seg(keys, occ, 7, 0, 5)
    keys, occ = jax.lax.cond(count > 4,
                             lambda ko: resize(ko[0], ko[1], 31, 5),
                             lambda ko: ko, (keys, occ))
    keys, occ = seg(keys, occ, 31, 5, 19)
    keys, occ = jax.lax.cond(count > 18,
                             lambda ko: resize(ko[0], ko[1], 127, 19),
                             lambda ko: ko, (keys, occ))
    keys, occ = seg(keys, occ, 127, 19, 77)
    keys, occ = jax.lax.cond(count > 76,
                             lambda ko: resize(ko[0], ko[1], 511, 77),
                             lambda ko: ko, (keys, occ))
    keys, occ = seg(keys, occ, 511, 77, elems.shape[0])
    return keys, occ, jnp.int32(511)


def kernel(corr_pos, src_keypts, tgt_keypts, W_in, b_in, W_hid, b_hid,
           W_out, b_out, sigma):
    src = src_keypts[0]
    tgt = tgt_keypts[0]
    srcT = jnp.transpose(src)
    tgtT = jnp.transpose(tgt)

    fcg, sv = _fcg_sv(src, tgt, srcT, tgtT)
    thresh = sv.reshape(1, N, TOPK).reshape(1, -1).mean(axis=1)[:, None, None]
    thr = thresh.reshape(1, 1)

    H2d, nnz = _h_matmul(fcg, thr)
    flag = (nnz[0:1, 0:1] > 0).astype(jnp.float32)

    x = corr_pos[0]
    xp = jnp.concatenate([x, jnp.zeros((N, 2), jnp.float32)], axis=1)
    w_inp = jnp.concatenate([W_in, jnp.zeros((2, CH), jnp.float32)], axis=0)
    b_in8 = jnp.broadcast_to(b_in.reshape(1, CH), (8, CH))
    b_hid8 = jnp.broadcast_to(b_hid.reshape(1, CH), (8, CH))
    w_outp = jnp.concatenate(
        [W_out, jnp.zeros((CH, CH - 1), jnp.float32)], axis=1)
    bo = b_out.reshape(1, 1)

    esum, deg = _esum(flag, H2d, xp, w_inp, b_in8)
    msum = _msum(flag, H2d, esum, deg)
    h2, log128 = _mlp(bo, xp, w_inp, b_in8, msum, deg, W_hid, b_hid8, w_outp)

    logits = log128[:, 0:1]
    confidence = logits.reshape(1, -1)
    corr_feats = jnp.transpose(h2)[None, :, :]

    sig2 = (sigma ** 2).reshape(1, 1)
    M = _m_matmul(sig2, h2)[None]

    conf8 = jnp.broadcast_to(confidence, (8, N))
    d128, nbr128 = _deg_nbr(H2d, conf8)
    D = d128[:, 0].reshape(1, N)
    nbr_max = nbr128[:, 0].reshape(1, N)
    d8 = jnp.broadcast_to(D, (8, N))
    xyz128 = _xyz_k(H2d, d8, d128)
    xyz = xyz128[:, 0].reshape(1, 1, N)

    Lscore = jnp.linalg.norm(xyz, axis=1)
    low = Lscore.min(axis=1, keepdims=True)
    up = Lscore.max(axis=1, keepdims=True)
    Lscore = (Lscore - low) / (up - low) * (D > 0).astype(jnp.float32)
    ilm = jnp.where(D > 0,
                    (confidence >= nbr_max).astype(jnp.float32),
                    jnp.float32(jnp.inf))
    is_local_max = ilm * (D > 0).astype(jnp.float32)
    score = Lscore * is_local_max
    seed1 = jnp.argsort(-score, axis=1)
    seed2 = jnp.argsort(-Lscore, axis=1)
    max_num = int(N * 0.1)
    sel_len1 = jnp.minimum(jnp.int32(max_num),
                           (score > 0).sum().astype(jnp.int32))
    elems = seed1[0, :max_num].astype(jnp.int32)
    keys, occ, _ = _hset_sim(elems, sel_len1)
    order = jnp.cumsum(occ.astype(jnp.int32)) - 1
    set_list = jnp.zeros((max_num,), jnp.int32).at[
        jnp.where(occ, order, jnp.int32(max_num))].set(keys, mode='drop')
    valid = jnp.arange(max_num, dtype=jnp.int32) < sel_len1
    in_set = jnp.zeros((N,), bool).at[
        jnp.where(valid, elems, jnp.int32(N))].set(True, mode='drop')
    s2 = seed2[0].astype(jnp.int32)
    keep = jnp.logical_not(in_set[s2])
    rank = jnp.cumsum(keep.astype(jnp.int32)) - 1
    take = keep & (rank < max_num)
    uniq = jnp.zeros((max_num,), jnp.int32).at[
        jnp.where(take, rank, jnp.int32(max_num))].set(s2, mode='drop')
    j = jnp.arange(max_num, dtype=jnp.int32)
    appended = jnp.where(j < sel_len1, set_list[j],
                         uniq[jnp.clip(j - sel_len1, 0, max_num - 1)])
    seeds = appended[None, :]

    return confidence, corr_feats, M, H2d[None], seeds

# --- scband reference (transcript-rebuilt; emitter-appended) ---
"""Pipeline reference for scband-whnn-19851338842336 (READ-ONLY COPY).

The authoritative reference and input builder live on the scoring server;
editing this copy changes nothing except your own understanding.
"""

import jax, jax.numpy as jnp
import numpy as np

N = 2000
SIGMA_D = 0.1
RATIO = 0.1
CH = 128
F_IN = 6


def setup_inputs(seed: int = 0) -> dict:
    key = jax.random.key(seed)
    ks = jax.random.split(key, 8)
    return {
        "corr_pos": jax.random.normal(ks[0], (1, N, F_IN), jnp.float32),
        "src_keypts": jax.random.uniform(ks[1], (1, N, 3), dtype=jnp.float32),
        "tgt_keypts": jax.random.uniform(ks[2], (1, N, 3), dtype=jnp.float32),
        "W_in": 0.1 * jax.random.normal(ks[3], (F_IN, CH), jnp.float32),
        "b_in": jnp.zeros((CH,), jnp.float32),
        "W_hid": 0.1 * jax.random.normal(ks[4], (CH, CH), jnp.float32),
        "b_hid": jnp.zeros((CH,), jnp.float32),
        "W_out": 0.1 * jax.random.normal(ks[5], (CH, 1), jnp.float32),
        "b_out": jnp.zeros((1,), jnp.float32),
        "sigma": jnp.ones((1,), jnp.float32),
    }


def _pdist(p):
    d2 = jnp.sum((p[:, :, None, :] - p[:, None, :, :]) ** 2, axis=-1)
    return jnp.sqrt(jnp.maximum(d2, 0.0))


def build_hypergraph(src_pts, tgt_pts):
    bs, n, _ = src_pts.shape
    fcg_k = max(1, int(n * 0.1))
    pd = _pdist(src_pts) - _pdist(tgt_pts)
    fcg = jnp.clip(1.0 - pd ** 2 / SIGMA_D ** 2, 0.0, None)
    eye = jnp.eye(n, dtype=fcg.dtype)[None]
    fcg = fcg * (1.0 - eye)
    sv, _ = jax.lax.top_k(fcg, fcg_k)
    thresh = sv.reshape(bs, -1).mean(axis=1)[:, None, None]
    fcg = jnp.where(fcg < thresh, 0.0, fcg)
    return jnp.matmul(fcg, fcg) * fcg


def sethnn(x, A, W_in, b_in, W_hid, b_hid, W_out, b_out):
    # Hypergraph set message passing: node -> hyperedge mean -> node mean -> MLP
    n = x.shape[0]
    h = jax.nn.relu(x @ W_in + b_in)

    def acc_e(carry, inp):
        a_v, h_v = inp
        return carry + a_v[:, None] * h_v[None, :], None

    esum, _ = jax.lax.scan(acc_e, jnp.zeros((n, h.shape[1]), h.dtype), (A, h))
    ecnt = jnp.sum(A, axis=0)[:, None]
    emean = esum / jnp.maximum(ecnt, 1.0)

    def acc_v(carry, inp):
        a_e, em_e = inp
        return carry + a_e[:, None] * em_e[None, :], None

    msum, _ = jax.lax.scan(acc_v, jnp.zeros((n, h.shape[1]), h.dtype), (A.T, emean))
    mcnt = jnp.sum(A, axis=1)[:, None]
    m = msum / jnp.maximum(mcnt, 1.0)
    h2 = jax.nn.relu((h + m) @ W_hid + b_hid)
    logits = h2 @ W_out + b_out
    return logits, h2


_LINEAR_PROBES = 9


def _probe_slot(occ, mask, h):
    js = jnp.arange(_LINEAR_PROBES + 1, dtype=jnp.int32)

    def cond_fn(st):
        return st[2] < 0

    def body_fn(st):
        i, perturb, _ = st
        valid = (js == 0) | (i + _LINEAR_PROBES <= mask)
        idxs = jnp.minimum(i + js, jnp.int32(occ.shape[0] - 1))
        hit = valid & jnp.logical_not(occ[idxs])
        jhit = jnp.min(jnp.where(hit, js, jnp.int32(_LINEAR_PROBES + 1)))
        found = jhit <= _LINEAR_PROBES
        slot = jnp.where(found, i + jhit, jnp.int32(-1))
        p2 = perturb >> 5
        i2 = (i * 5 + 1 + p2) & mask
        return (jnp.where(found, i, i2), jnp.where(found, perturb, p2), slot)

    st = jax.lax.while_loop(cond_fn, body_fn, (h & mask, h, jnp.int32(-1)))
    return st[2]


def _set_add(keys, occ, mask, k):
    slot = _probe_slot(occ, mask, k)
    return keys.at[slot].set(k), occ.at[slot].set(True)


def _set_resize(keys, occ, newmask):
    def body(s, st):
        def ins(st_):
            return _set_add(st_[0], st_[1], newmask, keys[s])

        return jax.lax.cond(occ[s], ins, lambda st_: st_, st)

    empty = (jnp.zeros_like(keys), jnp.zeros_like(occ))
    return jax.lax.fori_loop(0, occ.shape[0], body, empty)


def _simulate_set(elems, count):
    size = 512
    keys0 = jnp.zeros((size,), jnp.int32)
    occ0 = jnp.zeros((size,), bool)
    mask0 = jnp.int32(7)

    def body(t, st):
        def do(st_):
            keys, occ, mask = st_
            keys, occ = _set_add(keys, occ, mask, elems[t])
            fill = t.astype(jnp.int32) + 1
            need = fill * 5 >= mask * 3
            newmask = jnp.where(mask == 7, jnp.int32(31),
                                jnp.where(mask == 31, jnp.int32(127), jnp.int32(511)))
            keys, occ = jax.lax.cond(
                need,
                lambda ko: _set_resize(ko[0], ko[1], newmask),
                lambda ko: ko,
                (keys, occ))
            mask = jnp.where(need, newmask, mask)
            return keys, occ, mask

        return jax.lax.cond(t < count, do, lambda st_: st_, st)

    return jax.lax.fori_loop(0, elems.shape[0], body, (keys0, occ0, mask0))


def graph_filter(H, confidence, max_num):
    merge = H + jnp.transpose(H, (0, 2, 1))
    merge = (merge > 1.0).astype(jnp.float32)
    D = merge.sum(axis=-1)
    L = jax.vmap(jnp.diag)(D) - merge
    xyz = jnp.matmul(D[:, None, :], L)
    Lscore = jnp.linalg.norm(xyz, axis=1)
    low = Lscore.min(axis=1, keepdims=True)
    up = Lscore.max(axis=1, keepdims=True)
    Lscore = (Lscore - low) / (up - low) * (D > 0).astype(jnp.float32)
    score_relation = (confidence.T >= confidence).astype(jnp.float32)
    masked = jnp.where(merge == 0, jnp.inf, score_relation[None, :, :])
    is_local_max = masked.min(axis=-1) * (D > 0).astype(jnp.float32)
    score = Lscore * is_local_max
    seed1 = jnp.argsort(-score, axis=1)
    seed2 = jnp.argsort(-Lscore, axis=1)
    n = H.shape[1]
    sel_len1 = jnp.minimum(jnp.int32(max_num), (score > 0).sum().astype(jnp.int32))
    elems = seed1[0, :max_num].astype(jnp.int32)
    keys, occ, _ = _simulate_set(elems, sel_len1)
    order = jnp.cumsum(occ.astype(jnp.int32)) - 1
    set_list = jnp.zeros((max_num,), jnp.int32).at[
        jnp.where(occ, order, jnp.int32(max_num))].set(keys, mode='drop')
    valid = jnp.arange(max_num, dtype=jnp.int32) < sel_len1
    in_set = jnp.zeros((n,), bool).at[
        jnp.where(valid, elems, jnp.int32(n))].set(True, mode='drop')
    s2 = seed2[0].astype(jnp.int32)
    keep = jnp.logical_not(in_set[s2])
    rank = jnp.cumsum(keep.astype(jnp.int32)) - 1
    take = keep & (rank < max_num)
    uniq = jnp.zeros((max_num,), jnp.int32).at[
        jnp.where(take, rank, jnp.int32(max_num))].set(s2, mode='drop')
    j = jnp.arange(max_num, dtype=jnp.int32)
    appended = jnp.where(j < sel_len1, set_list[j],
                         uniq[jnp.clip(j - sel_len1, 0, max_num - 1)])
    return appended[None, :]


def reference(corr_pos, src_keypts, tgt_keypts, W_in, b_in, W_hid, b_hid, W_out, b_out, sigma):
    H = jax.lax.stop_gradient(build_hypergraph(src_keypts, tgt_keypts))
    nn = corr_pos.shape[1]
    adj = (H[0] > 0).astype(jnp.float32)
    has_pairs = jnp.sum(adj) > 0
    A = jnp.where(has_pairs, adj, jnp.eye(nn, dtype=adj.dtype))
    logits, emb = sethnn(corr_pos[0], A, W_in, b_in, W_hid, b_hid, W_out, b_out)
    confidence = logits.reshape(1, -1)
    corr_feats = emb.T[None, :, :]
    M = jnp.matmul(jnp.transpose(corr_feats, (0, 2, 1)), corr_feats)
    M = jnp.clip(1.0 - (1.0 - M) / sigma ** 2, 0.0, 1.0)
    n = M.shape[1]
    M = M * (1.0 - jnp.eye(n, dtype=M.dtype)[None])
    num_corr = confidence.shape[1]
    seeds = graph_filter(H, confidence, int(num_corr * RATIO))
    return confidence, corr_feats, M, H, seeds

if __name__ == "__main__":
    import jax
    _d = setup_inputs()
    print(jax.jit(kernel)(*tuple(_d.values())))

</pallas_src>

<mosaic_0001>
module attributes {stable_mosaic.version = 14 : i64} {
  func.func @_fcg_sv_body(%arg0: i32, %arg1: memref<400x3xf32, #tpu.memory_space<vmem>>, %arg2: memref<400x3xf32, #tpu.memory_space<vmem>>, %arg3: memref<3x2000xf32, #tpu.memory_space<vmem>>, %arg4: memref<3x2000xf32, #tpu.memory_space<vmem>>, %arg5: memref<400x2000xf32, #tpu.memory_space<vmem>>, %arg6: memref<400x200xf32, #tpu.memory_space<vmem>>, %arg7: memref<400x2000xf32, #tpu.memory_space<vmem>>) attributes {dimension_semantics = [#tpu.dimension_semantics<parallel>], iteration_bounds = array<i64: 5>, scalar_prefetch = 0 : i64, scratch_operands = 1 : i64, tpu.core_type = #tpu.core_type<tc>, window_params = [{transform_indices = @transform_0, window_bounds = array<i64: 400, 3>}, {transform_indices = @transform_1, window_bounds = array<i64: 400, 3>}, {pipeline_mode = #tpu.pipeline_mode<synchronous>, transform_indices = @transform_2, window_bounds = array<i64: 3, 2000>}, {pipeline_mode = #tpu.pipeline_mode<synchronous>, transform_indices = @transform_3, window_bounds = array<i64: 3, 2000>}, {transform_indices = @transform_4, window_bounds = array<i64: 400, 2000>}, {transform_indices = @transform_5, window_bounds = array<i64: 400, 200>}]} {
    %get3A = arith.constant 0 : index
    %get3A_0 = arith.constant 0 : index
    %get3A_1 = vector.load %arg1[%get3A, %get3A_0] : memref<400x3xf32, #tpu.memory_space<vmem>>, vector<400x3xf32>
    %get3A_2 = arith.constant 0 : index
    %get3A_3 = arith.constant 0 : index
    %get3A_4 = vector.load %arg3[%get3A_2, %get3A_3] : memref<3x2000xf32, #tpu.memory_space<vmem>>, vector<3x2000xf32>
    %slice3A = vector.extract_strided_slice %get3A_1 {offsets = [0, 0], sizes = [400, 1], strides = [1, 1]} : vector<400x3xf32> to vector<400x1xf32>
    %slice3A_5 = vector.extract_strided_slice %get3A_4 {offsets = [0, 0], sizes = [1, 2000], strides = [1, 1]} : vector<3x2000xf32> to vector<1x2000xf32>
    %sub3A = vector.broadcast %slice3A : vector<400x1xf32> to vector<400x2000xf32>
    %sub3A_6 = vector.broadcast %slice3A_5 : vector<1x2000xf32> to vector<400x2000xf32>
    %sub3A_7 = arith.subf %sub3A, %sub3A_6 : vector<400x2000xf32>
    %mul3A = arith.mulf %sub3A_7, %sub3A_7 : vector<400x2000xf32>
    %slice3A_8 = vector.extract_strided_slice %get3A_1 {offsets = [0, 1], sizes = [400, 1], strides = [1, 1]} : vector<400x3xf32> to vector<400x1xf32>
    %slice3A_9 = vector.extract_strided_slice %get3A_4 {offsets = [1, 0], sizes = [1, 2000], strides = [1, 1]} : vector<3x2000xf32> to vector<1x2000xf32>
    %sub3A_10 = vector.broadcast %slice3A_8 : vector<400x1xf32> to vector<400x2000xf32>
    %sub3A_11 = vector.broadcast %slice3A_9 : vector<1x2000xf32> to vector<400x2000xf32>
    %sub3A_12 = arith.subf %sub3A_10, %sub3A_11 : vector<400x2000xf32>
    %mul3A_13 = arith.mulf %sub3A_12, %sub3A_12 : vector<400x2000xf32>
    %add3A = arith.addf %mul3A, %mul3A_13 : vector<400x2000xf32>
    %slice3A_14 = vector.extract_strided_slice %get3A_1 {offsets = [0, 2], sizes = [400, 1], strides = [1, 1]} : vector<400x3xf32> to vector<400x1xf32>
    %slice3A_15 = vector.extract_strided_slice %get3A_4 {offsets = [2, 0], sizes = [1, 2000], strides = [1, 1]} : vector<3x2000xf32> to vector<1x2000xf32>
    %sub3A_16 = vector.broadcast %slice3A_14 : vector<400x1xf32> to vector<400x2000xf32>
    %sub3A_17 = vector.broadcast %slice3A_15 : vector<1x2000xf32> to vector<400x2000xf32>
    %sub3A_18 = arith.subf %sub3A_16, %sub3A_17 : vector<400x2000xf32>
    %mul3A_19 = arith.mulf %sub3A_18, %sub3A_18 : vector<400x2000xf32>
    %add3A_20 = arith.addf %add3A, %mul3A_19 : vector<400x2000xf32>
    %max3A = arith.constant 0.000000e+00 : f32
    %max3A_21 = vector.broadcast %max3A : f32 to vector<400x2000xf32>
    %max3A_22 = arith.maximumf %add3A_20, %max3A_21 : vector<400x2000xf32>
    %sqrt3A = math.sqrt %max3A_22 : vector<400x2000xf32>
    %get3A_23 = arith.constant 0 : index
    %get3A_24 = arith.constant 0 : index
    %get3A_25 = vector.load %arg2[%get3A_23, %get3A_24] : memref<400x3xf32, #tpu.memory_space<vmem>>, vector<400x3xf32>
    %get3A_26 = arith.constant 0 : index
    %get3A_27 = arith.constant 0 : index
    %get3A_28 = vector.load %arg4[%get3A_26, %get3A_27] : memref<3x2000xf32, #tpu.memory_space<vmem>>, vector<3x2000xf32>
    %slice3A_29 = vector.extract_strided_slice %get3A_25 {offsets = [0, 0], sizes = [400, 1], strides = [1, 1]} : vector<400x3xf32> to vector<400x1xf32>
    %slice3A_30 = vector.extract_strided_slice %get3A_28 {offsets = [0, 0], sizes = [1, 2000], strides = [1, 1]} : vector<3x2000xf32> to vector<1x2000xf32>
    %sub3A_31 = vector.broadcast %slice3A_29 : vector<400x1xf32> to vector<400x2000xf32>
    %sub3A_32 = vector.broadcast %slice3A_30 : vector<1x2000xf32> to vector<400x2000xf32>
    %sub3A_33 = arith.subf %sub3A_31, %sub3A_32 : vector<400x2000xf32>
    %mul3A_34 = arith.mulf %sub3A_33, %sub3A_33 : vector<400x2000xf32>
    %slice3A_35 = vector.extract_strided_slice %get3A_25 {offsets = [0, 1], sizes = [400, 1], strides = [1, 1]} : vector<400x3xf32> to vector<400x1xf32>
    %slice3A_36 = vector.extract_strided_slice %get3A_28 {offsets = [1, 0], sizes = [1, 2000], strides = [1, 1]} : vector<3x2000xf32> to vector<1x2000xf32>
    %sub3A_37 = vector.broadcast %slice3A_35 : vector<400x1xf32> to vector<400x2000xf32>
    %sub3A_38 = vector.broadcast %slice3A_36 : vector<1x2000xf32> to vector<400x2000xf32>
    %sub3A_39 = arith.subf %sub3A_37, %sub3A_38 : vector<400x2000xf32>
    %mul3A_40 = arith.mulf %sub3A_39, %sub3A_39 : vector<400x2000xf32>
    %add3A_41 = arith.addf %mul3A_34, %mul3A_40 : vector<400x2000xf32>
    %slice3A_42 = vector.extract_strided_slice %get3A_25 {offsets = [0, 2], sizes = [400, 1], strides = [1, 1]} : vector<400x3xf32> to vector<400x1xf32>
    %slice3A_43 = vector.extract_strided_slice %get3A_28 {offsets = [2, 0], sizes = [1, 2000], strides = [1, 1]} : vector<3x2000xf32> to vector<1x2000xf32>
    %sub3A_44 = vector.broadcast %slice3A_42 : vector<400x1xf32> to vector<400x2000xf32>
    %sub3A_45 = vector.broadcast %slice3A_43 : vector<1x2000xf32> to vector<400x2000xf32>
    %sub3A_46 = arith.subf %sub3A_44, %sub3A_45 : vector<400x2000xf32>
    %mul3A_47 = arith.mulf %sub3A_46, %sub3A_46 : vector<400x2000xf32>
    %add3A_48 = arith.addf %add3A_41, %mul3A_47 : vector<400x2000xf32>
    %max3A_49 = arith.constant 0.000000e+00 : f32
    %max3A_50 = vector.broadcast %max3A_49 : f32 to vector<400x2000xf32>
    %max3A_51 = arith.maximumf %add3A_48, %max3A_50 : vector<400x2000xf32>
    %sqrt3A_52 = math.sqrt %max3A_51 : vector<400x2000xf32>
    %sub3A_53 = arith.subf %sqrt3A, %sqrt3A_52 : vector<400x2000xf32>
    %mul3A_54 = arith.mulf %sub3A_53, %sub3A_53 : vector<400x2000xf32>
    %div3A = arith.constant 0.00999999977 : f32
    %div3A_55 = vector.broadcast %div3A : f32 to vector<400x2000xf32>
    %div3A_56 = arith.divf %mul3A_54, %div3A_55 : vector<400x2000xf32>
    %sub3A_57 = arith.constant 1.000000e+00 : f32
    %sub3A_58 = vector.broadcast %sub3A_57 : f32 to vector<400x2000xf32>
    %sub3A_59 = arith.subf %sub3A_58, %div3A_56 : vector<400x2000xf32>
    %max3A_60 = arith.constant 0.000000e+00 : f32
    %max3A_61 = vector.broadcast %max3A_60 : f32 to vector<400x2000xf32>
    %max3A_62 = arith.maximumf %sub3A_59, %max3A_61 : vector<400x2000xf32>
    %mul3A_63 = arith.constant 400 : i32
    %mul3A_64 = arith.muli %arg0, %mul3A_63 : i32
    %iota3A = tpu.iota {dimensions = array<i32: 0>} : vector<400x2000xi32>
    %add3A_65 = vector.broadcast %mul3A_64 : i32 to vector<400x2000xi32>
    %add3A_66 = arith.addi %add3A_65, %iota3A : vector<400x2000xi32>
    %iota3A_67 = tpu.iota {dimensions = array<i32: 1>} : vector<400x2000xi32>
    %eq3A = arith.cmpi eq, %add3A_66, %iota3A_67 : vector<400x2000xi32>
    %convert_element_type3A = arith.extui %eq3A : vector<400x2000xi1> to vector<400x2000xi32>
    %convert_element_type3A_68 = arith.sitofp %convert_element_type3A : vector<400x2000xi32> to vector<400x2000xf32>
    %sub3A_69 = arith.constant 1.000000e+00 : f32
    %sub3A_70 = vector.broadcast %sub3A_69 : f32 to vector<400x2000xf32>
    %sub3A_71 = arith.subf %sub3A_70, %convert_element_type3A_68 : vector<400x2000xf32>
    %mul3A_72 = arith.mulf %max3A_62, %sub3A_71 : vector<400x2000xf32>
    %swap3A = arith.constant 0 : index
    %swap3A_73 = arith.constant 0 : index
    %swap3A_74 = vector.load %arg5[%swap3A, %swap3A_73] : memref<400x2000xf32, #tpu.memory_space<vmem>>, vector<400x2000xf32>
    tpu.vector_store %arg5[%swap3A, %swap3A_73], %mul3A_72 {strides = array<i32>} : memref<400x2000xf32, #tpu.memory_space<vmem>>, vector<400x2000xf32>,
    %swap3A_75 = arith.constant 0 : index
    %swap3A_76 = arith.constant 0 : index
    %swap3A_77 = vector.load %arg7[%swap3A_75, %swap3A_76] : memref<400x2000xf32, #tpu.memory_space<vmem>>, vector<400x2000xf32>
    tpu.vector_store %arg7[%swap3A_75, %swap3A_76], %mul3A_72 {strides = array<i32>} : memref<400x2000xf32, #tpu.memory_space<vmem>>, vector<400x2000xf32>,
    %broadcast_in_dim3A = arith.constant 0.000000e+00 : f32
    %broadcast_in_dim3A_78 = vector.broadcast %broadcast_in_dim3A : f32 to vector<400x200xf32>
    %swap3A_79 = arith.constant 0 : index
    %swap3A_80 = arith.constant 0 : index
    %swap3A_81 = vector.load %arg6[%swap3A_79, %swap3A_80] : memref<400x200xf32, #tpu.memory_space<vmem>>, vector<400x200xf32>
    tpu.vector_store %arg6[%swap3A_79, %swap3A_80], %broadcast_in_dim3A_78 {strides = array<i32>} : memref<400x200xf32, #tpu.memory_space<vmem>>, vector<400x200xf32>,
    %iota3A_82 = tpu.iota {dimensions = array<i32: 1>} : vector<400x200xi32>
    %reduce_max3A = arith.constant dense<0xFF800000> : vector<400xf32>
    %reduce_max3A_83 = vector.multi_reduction <maximumf>, %mul3A_72, %reduce_max3A [1] : vector<400x2000xf32> to vector<400xf32>
    %broadcast_in_dim3A_84 = vector.shape_cast %reduce_max3A_83 : vector<400xf32> to vector<400x1xf32>
    %broadcast_in_dim3A_85 = arith.constant 0 : i32
    %broadcast_in_dim3A_86 = vector.broadcast %broadcast_in_dim3A_85 : i32 to vector<400x1xi32>
    %scan3A = arith.constant 0 : i32
    %scan3A_87 = arith.constant 200 : i32
    %scan3A_88 = arith.addi %scan3A, %scan3A_87 : i32
    %scan3A_89 = arith.constant 1 : i32
    %scan3A_90:2 = scf.for %scan3A_91 = %scan3A to %scan3A_88 step %scan3A_89 iter_args(%scan3A_92 = %broadcast_in_dim3A_84, %scan3A_93 = %broadcast_in_dim3A_86) -> (vector<400x1xf32>, vector<400x1xi32>)  : i32 {
      %get3A_94 = arith.constant 0 : index
      %get3A_95 = arith.constant 0 : index
      %get3A_96 = vector.load %arg7[%get3A_94, %get3A_95] : memref<400x2000xf32, #tpu.memory_space<vmem>>, vector<400x2000xf32>
      %eq3A_97 = vector.broadcast %scan3A_92 : vector<400x1xf32> to vector<400x2000xf32>
      %eq3A_98 = arith.cmpf oeq, %get3A_96, %eq3A_97 : vector<400x2000xf32>
      %jit3A = arith.constant 0xFF800000 : f32
      %broadcast_in_dim3A_99 = vector.broadcast %jit3A : f32 to vector<400x2000xf32>
      %select_n3A = arith.select %eq3A_98, %broadcast_in_dim3A_99, %get3A_96 : vector<400x2000xi1>, vector<400x2000xf32>
      %swap3A_100 = arith.constant 0 : index
      %swap3A_101 = arith.constant 0 : index
      %swap3A_102 = vector.load %arg7[%swap3A_100, %swap3A_101] : memref<400x2000xf32, #tpu.memory_space<vmem>>, vector<400x2000xf32>
      tpu.vector_store %arg7[%swap3A_100, %swap3A_101], %select_n3A {strides = array<i32>} : memref<400x2000xf32, #tpu.memory_space<vmem>>, vector<400x2000xf32>,
      %convert_element_type3A_103 = arith.extui %eq3A_98 : vector<400x2000xi1> to vector<400x2000xi32>
      %reduce_sum3A = arith.constant dense<0> : vector<400xi32>
      %reduce_sum3A_104 = vector.multi_reduction <add>, %convert_element_type3A_103, %reduce_sum3A [1] : vector<400x2000xi32> to vector<400xi32>
      %broadcast_in_dim3A_105 = vector.shape_cast %reduce_sum3A_104 : vector<400xi32> to vector<400x1xi32>
      %reduce_max3A_106 = arith.constant dense<0xFF800000> : vector<400xf32>
      %reduce_max3A_107 = vector.multi_reduction <maximumf>, %select_n3A, %reduce_max3A_106 [1] : vector<400x2000xf32> to vector<400xf32>
      %broadcast_in_dim3A_108 = vector.shape_cast %reduce_max3A_107 : vector<400xf32> to vector<400x1xf32>
      %max3A_109 = arith.constant 0.000000e+00 : f32
      %max3A_110 = vector.broadcast %max3A_109 : f32 to vector<400x1xf32>
      %max3A_111 = arith.maximumf %scan3A_92, %max3A_110 : vector<400x1xf32>
      %ge3A = vector.broadcast %scan3A_93 : vector<400x1xi32> to vector<400x200xi32>
      %ge3A_112 = arith.cmpi sge, %iota3A_82, %ge3A : vector<400x200xi32>
      %add3A_113 = arith.addi %scan3A_93, %broadcast_in_dim3A_105 : vector<400x1xi32>
      %lt3A = vector.broadcast %add3A_113 : vector<400x1xi32> to vector<400x200xi32>
      %lt3A_114 = arith.cmpi slt, %iota3A_82, %lt3A : vector<400x200xi32>
      %and3A = arith.andi %ge3A_112, %lt3A_114 : vector<400x200xi1>
      %get3A_115 = arith.constant 0 : index
      %get3A_116 = arith.constant 0 : index
      %get3A_117 = vector.load %arg6[%get3A_115, %get3A_116] : memref<400x200xf32, #tpu.memory_space<vmem>>, vector<400x200xf32>
      %jit3A_118 = arith.constant 0.000000e+00 : f32
      %broadcast_in_dim3A_119 = vector.shape_cast %max3A_111 : vector<400x1xf32> to vector<400x1xf32>
      %broadcast_in_dim3A_120 = vector.broadcast %broadcast_in_dim3A_119 : vector<400x1xf32> to vector<400x200xf32>
      %broadcast_in_dim3A_121 = vector.broadcast %jit3A_118 : f32 to vector<400x200xf32>
      %select_n3A_122 = arith.select %and3A, %broadcast_in_dim3A_120, %broadcast_in_dim3A_121 : vector<400x200xi1>, vector<400x200xf32>
      %add3A_123 = arith.addf %get3A_117, %select_n3A_122 : vector<400x200xf32>
      %swap3A_124 = arith.constant 0 : index
      %swap3A_125 = arith.constant 0 : index
      %swap3A_126 = vector.load %arg6[%swap3A_124, %swap3A_125] : memref<400x200xf32, #tpu.memory_space<vmem>>, vector<400x200xf32>
      tpu.vector_store %arg6[%swap3A_124, %swap3A_125], %add3A_123 {strides = array<i32>} : memref<400x200xf32, #tpu.memory_space<vmem>>, vector<400x200xf32>,
      %add3A_127 = arith.addi %scan3A_93, %broadcast_in_dim3A_105 : vector<400x1xi32>
      scf.yield %broadcast_in_dim3A_108, %add3A_127 : vector<400x1xf32>, vector<400x1xi32>
    }
    return
  }
  func.func @transform_0(%arg0: i32) -> (i32, i32) {
    %c0_i32 = arith.constant 0 : i32
    %c0_i32_0 = arith.constant 0 : i32
    return %arg0, %c0_i32 : i32, i32
  }
  func.func @transform_1(%arg0: i32) -> (i32, i32) {
    %c0_i32 = arith.constant 0 : i32
    %c0_i32_0 = arith.constant 0 : i32
    return %arg0, %c0_i32 : i32, i32
  }
  func.func @transform_2(%arg0: i32) -> (i32, i32) {
    %c0_i32 = arith.constant 0 : i32
    %c0_i32_0 = arith.constant 0 : i32
    %c0_i32_1 = arith.constant 0 : i32
    return %c0_i32, %c0_i32_0 : i32, i32
  }
  func.func @transform_3(%arg0: i32) -> (i32, i32) {
    %c0_i32 = arith.constant 0 : i32
    %c0_i32_0 = arith.constant 0 : i32
    %c0_i32_1 = arith.constant 0 : i32
    return %c0_i32, %c0_i32_0 : i32, i32
  }
  func.func @transform_4(%arg0: i32) -> (i32, i32) {
    %c0_i32 = arith.constant 0 : i32
    %c0_i32_0 = arith.constant 0 : i32
    return %arg0, %c0_i32 : i32, i32
  }
  func.func @transform_5(%arg0: i32) -> (i32, i32) {
    %c0_i32 = arith.constant 0 : i32
    %c0_i32_0 = arith.constant 0 : i32
    return %arg0, %c0_i32 : i32, i32
  }
}

module attributes {stable_mosaic.version = 14 : i64} {
  func.func @_h_body(%arg0: i32, %arg1: memref<1x1xf32, #tpu.memory_space<smem>>, %arg2: memref<400x2000xf32, #tpu.memory_space<vmem>>, %arg3: memref<2000x2000xf32, #tpu.memory_space<vmem>>, %arg4: memref<400x2000xf32, #tpu.memory_space<vmem>>, %arg5: memref<8x128xf32, #tpu.memory_space<vmem>>) attributes {dimension_semantics = [#tpu.dimension_semantics<arbitrary>], iteration_bounds = array<i64: 5>, scalar_prefetch = 0 : i64, scratch_operands = 0 : i64, tpu.core_type = #tpu.core_type<tc>, window_params = [{transform_indices = @transform_0, window_bounds = array<i64: 1, 1>}, {transform_indices = @transform_1, window_bounds = array<i64: 400, 2000>}, {pipeline_mode = #tpu.pipeline_mode<synchronous>, transform_indices = @transform_2, window_bounds = array<i64: 2000, 2000>}, {transform_indices = @transform_3, window_bounds = array<i64: 400, 2000>}, {pipeline_mode = #tpu.pipeline_mode<synchronous>, transform_indices = @transform_4, window_bounds = array<i64: 8, 128>}]} {
    %get3A = arith.constant 0 : index
    %get3A_0 = arith.constant 0 : index
    %get3A_1 = memref.load %arg1[%get3A, %get3A_0] : memref<1x1xf32, #tpu.memory_space<smem>>
    %get3A_2 = arith.constant 0 : index
    %get3A_3 = arith.constant 0 : index
    %get3A_4 = vector.load %arg2[%get3A_2, %get3A_3] : memref<400x2000xf32, #tpu.memory_space<vmem>>, vector<400x2000xf32>
    %lt3A = vector.broadcast %get3A_1 : f32 to vector<400x2000xf32>
    %lt3A_5 = arith.cmpf olt, %get3A_4, %lt3A : vector<400x2000xf32>
    %jit3A = arith.constant 0.000000e+00 : f32
    %broadcast_in_dim3A = vector.broadcast %jit3A : f32 to vector<400x2000xf32>
    %select_n3A = arith.select %lt3A_5, %broadcast_in_dim3A, %get3A_4 : vector<400x2000xi1>, vector<400x2000xf32>
    %get3A_6 = arith.constant 0 : index
    %get3A_7 = arith.constant 0 : index
    %get3A_8 = vector.load %arg3[%get3A_6, %get3A_7] : memref<2000x2000xf32, #tpu.memory_space<vmem>>, vector<2000x2000xf32>
    %lt3A_9 = vector.broadcast %get3A_1 : f32 to vector<2000x2000xf32>
    %lt3A_10 = arith.cmpf olt, %get3A_8, %lt3A_9 : vector<2000x2000xf32>
    %jit3A_11 = arith.constant 0.000000e+00 : f32
    %broadcast_in_dim3A_12 = vector.broadcast %jit3A_11 : f32 to vector<2000x2000xf32>
    %select_n3A_13 = arith.select %lt3A_10, %broadcast_in_dim3A_12, %get3A_8 : vector<2000x2000xi1>, vector<2000x2000xf32>
    %dot_general3A = arith.constant dense<0.000000e+00> : vector<400x2000xf32>
    %dot_general3A_14 = tpu.matmul %select_n3A, %select_n3A_13, %dot_general3A {dimension_numbers = #tpu.dot_dimension_numbers<[1], [0], [0], [1], [0, 0, 1, 1], [], []>, transpose_lhs_hint = false} : vector<400x2000xf32>, vector<2000x2000xf32>, vector<400x2000xf32> -> vector<400x2000xf32>
    %mul3A = arith.mulf %dot_general3A_14, %select_n3A : vector<400x2000xf32>
    %swap3A = arith.constant 0 : index
    %swap3A_15 = arith.constant 0 : index
    %swap3A_16 = vector.load %arg4[%swap3A, %swap3A_15] : memref<400x2000xf32, #tpu.memory_space<vmem>>, vector<400x2000xf32>
    tpu.vector_store %arg4[%swap3A, %swap3A_15], %mul3A {strides = array<i32>} : memref<400x2000xf32, #tpu.memory_space<vmem>>, vector<400x2000xf32>,
    %gt3A = arith.constant 0.000000e+00 : f32
    %gt3A_17 = vector.broadcast %gt3A : f32 to vector<400x2000xf32>
    %gt3A_18 = arith.cmpf ogt, %mul3A, %gt3A_17 : vector<400x2000xf32>
    %convert_element_type3A = arith.extui %gt3A_18 : vector<400x2000xi1> to vector<400x2000xi32>
    %convert_element_type3A_19 = arith.sitofp %convert_element_type3A : vector<400x2000xi32> to vector<400x2000xf32>
    %reduce_sum3A = vector.shape_cast %convert_element_type3A_19 : vector<400x2000xf32> to vector<1x400x2000xf32>
    %reduce_sum3A_20 = arith.constant dense<0.000000e+00> : vector<1xf32>
    %reduce_sum3A_21 = vector.multi_reduction <add>, %reduce_sum3A, %reduce_sum3A_20 [1, 2] : vector<1x400x2000xf32> to vector<1xf32>
    %reduce_sum3A_22 = vector.shape_cast %reduce_sum3A_21 : vector<1xf32> to vector<1x1x1xf32>
    %reduce_sum3A_23 = vector.extract %reduce_sum3A_22[0, 0, 0] : f32 from vector<1x1x1xf32>
    %eq3A = arith.constant 0 : i32
    %eq3A_24 = arith.cmpi eq, %arg0, %eq3A : i32
    %convert_element_type3A_25 = arith.extui %eq3A_24 : i1 to i32
    %cond3A = arith.constant 0 : i32
    %cond3A_26 = arith.cmpi ne, %convert_element_type3A_25, %cond3A : i32
    scf.if %cond3A_26 {
      %broadcast_in_dim3A_34 = arith.constant 0.000000e+00 : f32
      %broadcast_in_dim3A_35 = vector.broadcast %broadcast_in_dim3A_34 : f32 to vector<8x128xf32>
      %swap3A_36 = arith.constant 0 : index
      %swap3A_37 = arith.constant 0 : index
      %swap3A_38 = vector.load %arg5[%swap3A_36, %swap3A_37] : memref<8x128xf32, #tpu.memory_space<vmem>>, vector<8x128xf32>
      tpu.vector_store %arg5[%swap3A_36, %swap3A_37], %broadcast_in_dim3A_35 {strides = array<i32>} : memref<8x128xf32, #tpu.memory_space<vmem>>, vector<8x128xf32>,
    } else {
    }
    %get3A_27 = arith.constant 0 : index
    %get3A_28 = arith.constant 0 : index
    %get3A_29 = vector.load %arg5[%get3A_27, %get3A_28] : memref<8x128xf32, #tpu.memory_space<vmem>>, vector<8x128xf32>
    %add3A = vector.broadcast %reduce_sum3A_23 : f32 to vector<8x128xf32>
    %add3A_30 = arith.addf %get3A_29, %add3A : vector<8x128xf32>
    %swap3A_31 = arith.constant 0 : index
    %swap3A_32 = arith.constant 0 : index
    %swap3A_33 = vector.load %arg5[%swap3A_31, %swap3A_32] : memref<8x128xf32, #tpu.memory_space<vmem>>, vector<8x128xf32>
    tpu.vector_store %arg5[%swap3A_31, %swap3A_32], %add3A_30 {strides = array<i32>} : memref<8x128xf32, #tpu.memory_space<vmem>>, vector<8x128xf32>,
    return
  }
  func.func @transform_0(%arg0: i32) -> (i32, i32) {
    %c0_i32 = arith.constant 0 : i32
    %c0_i32_0 = arith.constant 0 : i32
    %c0_i32_1 = arith.constant 0 : i32
    return %c0_i32, %c0_i32_0 : i32, i32
  }
  func.func @transform_1(%arg0: i32) -> (i32, i32) {
    %c0_i32 = arith.constant 0 : i32
    %c0_i32_0 = arith.constant 0 : i32
    return %arg0, %c0_i32 : i32, i32
  }
  func.func @transform_2(%arg0: i32) -> (i32, i32) {
    %c0_i32 = arith.constant 0 : i32
    %c0_i32_0 = arith.constant 0 : i32
    %c0_i32_1 = arith.constant 0 : i32
    return %c0_i32, %c0_i32_0 : i32, i32
  }
  func.func @transform_3(%arg0: i32) -> (i32, i32) {
    %c0_i32 = arith.constant 0 : i32
    %c0_i32_0 = arith.constant 0 : i32
    return %arg0, %c0_i32 : i32, i32
  }
  func.func @transform_4(%arg0: i32) -> (i32, i32) {
    %c0_i32 = arith.constant 0 : i32
    %c0_i32_0 = arith.constant 0 : i32
    %c0_i32_1 = arith.constant 0 : i32
    return %c0_i32, %c0_i32_0 : i32, i32
  }
}

module attributes {stable_mosaic.version = 14 : i64} {
  func.func @_esum_body(%arg0: i32, %arg1: memref<1x1xf32, #tpu.memory_space<smem>>, %arg2: memref<400x2000xf32, #tpu.memory_space<vmem>>, %arg3: memref<2000x8xf32, #tpu.memory_space<vmem>>, %arg4: memref<8x128xf32, #tpu.memory_space<vmem>>, %arg5: memref<8x128xf32, #tpu.memory_space<vmem>>, %arg6: memref<400x128xf32, #tpu.memory_space<vmem>>, %arg7: memref<400x128xf32, #tpu.memory_space<vmem>>) attributes {dimension_semantics = [#tpu.dimension_semantics<parallel>], iteration_bounds = array<i64: 5>, scalar_prefetch = 0 : i64, scratch_operands = 0 : i64, tpu.core_type = #tpu.core_type<tc>, window_params = [{transform_indices = @transform_0, window_bounds = array<i64: 1, 1>}, {transform_indices = @transform_1, window_bounds = array<i64: 400, 2000>}, {pipeline_mode = #tpu.pipeline_mode<synchronous>, transform_indices = @transform_2, window_bounds = array<i64: 2000, 8>}, {pipeline_mode = #tpu.pipeline_mode<synchronous>, transform_indices = @transform_3, window_bounds = array<i64: 8, 128>}, {pipeline_mode = #tpu.pipeline_mode<synchronous>, transform_indices = @transform_4, window_bounds = array<i64: 8, 128>}, {transform_indices = @transform_5, window_bounds = array<i64: 400, 128>}, {transform_indices = @transform_6, window_bounds = array<i64: 400, 128>}]} {
    %get3A = arith.constant 0 : index
    %get3A_0 = arith.constant 0 : index
    %get3A_1 = vector.load %arg2[%get3A, %get3A_0] : memref<400x2000xf32, #tpu.memory_space<vmem>>, vector<400x2000xf32>
    %get3A_2 = arith.constant 0 : index
    %get3A_3 = arith.constant 0 : index
    %get3A_4 = memref.load %arg1[%get3A_2, %get3A_3] : memref<1x1xf32, #tpu.memory_space<smem>>
    %gt3A = arith.constant 0.000000e+00 : f32
    %gt3A_5 = vector.broadcast %gt3A : f32 to vector<400x2000xf32>
    %gt3A_6 = arith.cmpf ogt, %get3A_1, %gt3A_5 : vector<400x2000xf32>
    %convert_element_type3A = arith.extui %gt3A_6 : vector<400x2000xi1> to vector<400x2000xi32>
    %convert_element_type3A_7 = arith.sitofp %convert_element_type3A : vector<400x2000xi32> to vector<400x2000xf32>
    %mul3A = arith.constant 400 : i32
    %mul3A_8 = arith.muli %arg0, %mul3A : i32
    %iota3A = tpu.iota {dimensions = array<i32: 0>} : vector<400x2000xi32>
    %add3A = vector.broadcast %mul3A_8 : i32 to vector<400x2000xi32>
    %add3A_9 = arith.addi %add3A, %iota3A : vector<400x2000xi32>
    %iota3A_10 = tpu.iota {dimensions = array<i32: 1>} : vector<400x2000xi32>
    %eq3A = arith.cmpi eq, %add3A_9, %iota3A_10 : vector<400x2000xi32>
    %convert_element_type3A_11 = arith.extui %eq3A : vector<400x2000xi1> to vector<400x2000xi32>
    %convert_element_type3A_12 = arith.sitofp %convert_element_type3A_11 : vector<400x2000xi32> to vector<400x2000xf32>
    %gt3A_13 = arith.constant 0.000000e+00 : f32
    %gt3A_14 = arith.cmpf ogt, %get3A_4, %gt3A_13 : f32
    %select_n3A = arith.select %gt3A_14, %convert_element_type3A_7, %convert_element_type3A_12 : vector<400x2000xf32>
    %get3A_15 = arith.constant 0 : index
    %get3A_16 = arith.constant 0 : index
    %get3A_17 = vector.load %arg3[%get3A_15, %get3A_16] : memref<2000x8xf32, #tpu.memory_space<vmem>>, vector<2000x8xf32>
    %get3A_18 = arith.constant 0 : index
    %get3A_19 = arith.constant 0 : index
    %get3A_20 = vector.load %arg4[%get3A_18, %get3A_19] : memref<8x128xf32, #tpu.memory_space<vmem>>, vector<8x128xf32>
    %dot_general3A = arith.constant dense<0.000000e+00> : vector<2000x128xf32>
    %dot_general3A_21 = tpu.matmul %get3A_17, %get3A_20, %dot_general3A {dimension_numbers = #tpu.dot_dimension_numbers<[1], [0], [0], [1], [0, 0, 1, 1], [], []>, transpose_lhs_hint = false} : vector<2000x8xf32>, vector<8x128xf32>, vector<2000x128xf32> -> vector<2000x128xf32>
    %get3A_22 = arith.constant 0 : index
    %get3A_23 = arith.constant 0 : index
    %get3A_24 = vector.load %arg5[%get3A_22, %get3A_23] : memref<8x128xf32, #tpu.memory_space<vmem>>, vector<1x128xf32>
    %add3A_25 = vector.broadcast %get3A_24 : vector<1x128xf32> to vector<2000x128xf32>
    %add3A_26 = arith.addf %dot_general3A_21, %add3A_25 : vector<2000x128xf32>
    %max3A = arith.constant 0.000000e+00 : f32
    %max3A_27 = vector.broadcast %max3A : f32 to vector<2000x128xf32>
    %max3A_28 = arith.maximumf %add3A_26, %max3A_27 : vector<2000x128xf32>
    %dot_general3A_29 = arith.constant dense<0.000000e+00> : vector<400x128xf32>
    %dot_general3A_30 = tpu.matmul %select_n3A, %max3A_28, %dot_general3A_29 {dimension_numbers = #tpu.dot_dimension_numbers<[1], [0], [0], [1], [0, 0, 1, 1], [], []>, transpose_lhs_hint = false} : vector<400x2000xf32>, vector<2000x128xf32>, vector<400x128xf32> -> vector<400x128xf32>
    %swap3A = arith.constant 0 : index
    %swap3A_31 = arith.constant 0 : index
    %swap3A_32 = vector.load %arg6[%swap3A, %swap3A_31] : memref<400x128xf32, #tpu.memory_space<vmem>>, vector<400x128xf32>
    tpu.vector_store %arg6[%swap3A, %swap3A_31], %dot_general3A_30 {strides = array<i32>} : memref<400x128xf32, #tpu.memory_space<vmem>>, vector<400x128xf32>,
    %reduce_sum3A = arith.constant dense<0.000000e+00> : vector<400xf32>
    %reduce_sum3A_33 = vector.multi_reduction <add>, %select_n3A, %reduce_sum3A [1] : vector<400x2000xf32> to vector<400xf32>
    %broadcast_in_dim3A = vector.shape_cast %reduce_sum3A_33 : vector<400xf32> to vector<400x1xf32>
    %broadcast_in_dim3A_34 = arith.constant 0.000000e+00 : f32
    %broadcast_in_dim3A_35 = vector.broadcast %broadcast_in_dim3A_34 : f32 to vector<400x128xf32>
    %add3A_36 = vector.broadcast %broadcast_in_dim3A : vector<400x1xf32> to vector<400x128xf32>
    %add3A_37 = arith.addf %add3A_36, %broadcast_in_dim3A_35 : vector<400x128xf32>
    %swap3A_38 = arith.constant 0 : index
    %swap3A_39 = arith.constant 0 : index
    %swap3A_40 = vector.load %arg7[%swap3A_38, %swap3A_39] : memref<400x128xf32, #tpu.memory_space<vmem>>, vector<400x128xf32>
    tpu.vector_store %arg7[%swap3A_38, %swap3A_39], %add3A_37 {strides = array<i32>} : memref<400x128xf32, #tpu.memory_space<vmem>>, vector<400x128xf32>,
    return
  }
  func.func @transform_0(%arg0: i32) -> (i32, i32) {
    %c0_i32 = arith.constant 0 : i32
    %c0_i32_0 = arith.constant 0 : i32
    %c0_i32_1 = arith.constant 0 : i32
    return %c0_i32, %c0_i32_0 : i32, i32
  }
  func.func @transform_1(%arg0: i32) -> (i32, i32) {
    %c0_i32 = arith.constant 0 : i32
    %c0_i32_0 = arith.constant 0 : i32
    return %arg0, %c0_i32 : i32, i32
  }
  func.func @transform_2(%arg0: i32) -> (i32, i32) {
    %c0_i32 = arith.constant 0 : i32
    %c0_i32_0 = arith.constant 0 : i32
    %c0_i32_1 = arith.constant 0 : i32
    return %c0_i32, %c0_i32_0 : i32, i32
  }
  func.func @transform_3(%arg0: i32) -> (i32, i32) {
    %c0_i32 = arith.constant 0 : i32
    %c0_i32_0 = arith.constant 0 : i32
    %c0_i32_1 = arith.constant 0 : i32
    return %c0_i32, %c0_i32_0 : i32, i32
  }
  func.func @transform_4(%arg0: i32) -> (i32, i32) {
    %c0_i32 = arith.constant 0 : i32
    %c0_i32_0 = arith.constant 0 : i32
    %c0_i32_1 = arith.constant 0 : i32
    return %c0_i32, %c0_i32_0 : i32, i32
  }
  func.func @transform_5(%arg0: i32) -> (i32, i32) {
    %c0_i32 = arith.constant 0 : i32
    %c0_i32_0 = arith.constant 0 : i32
    return %arg0, %c0_i32 : i32, i32
  }
  func.func @transform_6(%arg0: i32) -> (i32, i32) {
    %c0_i32 = arith.constant 0 : i32
    %c0_i32_0 = arith.constant 0 : i32
    return %arg0, %c0_i32 : i32, i32
  }
}

module attributes {stable_mosaic.version = 14 : i64} {
  func.func @_msum_body(%arg0: i32, %arg1: memref<1x1xf32, #tpu.memory_space<smem>>, %arg2: memref<400x2000xf32, #tpu.memory_space<vmem>>, %arg3: memref<2000x128xf32, #tpu.memory_space<vmem>>, %arg4: memref<2000x128xf32, #tpu.memory_space<vmem>>, %arg5: memref<400x128xf32, #tpu.memory_space<vmem>>) attributes {dimension_semantics = [#tpu.dimension_semantics<parallel>], iteration_bounds = array<i64: 5>, scalar_prefetch = 0 : i64, scratch_operands = 0 : i64, tpu.core_type = #tpu.core_type<tc>, window_params = [{transform_indices = @transform_0, window_bounds = array<i64: 1, 1>}, {transform_indices = @transform_1, window_bounds = array<i64: 400, 2000>}, {pipeline_mode = #tpu.pipeline_mode<synchronous>, transform_indices = @transform_2, window_bounds = array<i64: 2000, 128>}, {pipeline_mode = #tpu.pipeline_mode<synchronous>, transform_indices = @transform_3, window_bounds = array<i64: 2000, 128>}, {transform_indices = @transform_4, window_bounds = array<i64: 400, 128>}]} {
    %get3A = arith.constant 0 : index
    %get3A_0 = arith.constant 0 : index
    %get3A_1 = vector.load %arg2[%get3A, %get3A_0] : memref<400x2000xf32, #tpu.memory_space<vmem>>, vector<400x2000xf32>
    %get3A_2 = arith.constant 0 : index
    %get3A_3 = arith.constant 0 : index
    %get3A_4 = memref.load %arg1[%get3A_2, %get3A_3] : memref<1x1xf32, #tpu.memory_space<smem>>
    %gt3A = arith.constant 0.000000e+00 : f32
    %gt3A_5 = vector.broadcast %gt3A : f32 to vector<400x2000xf32>
    %gt3A_6 = arith.cmpf ogt, %get3A_1, %gt3A_5 : vector<400x2000xf32>
    %convert_element_type3A = arith.extui %gt3A_6 : vector<400x2000xi1> to vector<400x2000xi32>
    %convert_element_type3A_7 = arith.sitofp %convert_element_type3A : vector<400x2000xi32> to vector<400x2000xf32>
    %mul3A = arith.constant 400 : i32
    %mul3A_8 = arith.muli %arg0, %mul3A : i32
    %iota3A = tpu.iota {dimensions = array<i32: 0>} : vector<400x2000xi32>
    %add3A = vector.broadcast %mul3A_8 : i32 to vector<400x2000xi32>
    %add3A_9 = arith.addi %add3A, %iota3A : vector<400x2000xi32>
    %iota3A_10 = tpu.iota {dimensions = array<i32: 1>} : vector<400x2000xi32>
    %eq3A = arith.cmpi eq, %add3A_9, %iota3A_10 : vector<400x2000xi32>
    %convert_element_type3A_11 = arith.extui %eq3A : vector<400x2000xi1> to vector<400x2000xi32>
    %convert_element_type3A_12 = arith.sitofp %convert_element_type3A_11 : vector<400x2000xi32> to vector<400x2000xf32>
    %gt3A_13 = arith.constant 0.000000e+00 : f32
    %gt3A_14 = arith.cmpf ogt, %get3A_4, %gt3A_13 : f32
    %select_n3A = arith.select %gt3A_14, %convert_element_type3A_7, %convert_element_type3A_12 : vector<400x2000xf32>
    %get3A_15 = arith.constant 0 : index
    %get3A_16 = arith.constant 0 : index
    %get3A_17 = vector.load %arg3[%get3A_15, %get3A_16] : memref<2000x128xf32, #tpu.memory_space<vmem>>, vector<2000x128xf32>
    %get3A_18 = arith.constant 0 : index
    %get3A_19 = arith.constant 0 : index
    %get3A_20 = vector.load %arg4[%get3A_18, %get3A_19] : memref<2000x128xf32, #tpu.memory_space<vmem>>, vector<2000x128xf32>
    %slice3A = vector.extract_strided_slice %get3A_20 {offsets = [0, 0], sizes = [2000, 1], strides = [1, 1]} : vector<2000x128xf32> to vector<2000x1xf32>
    %max3A = arith.constant 1.000000e+00 : f32
    %max3A_21 = vector.broadcast %max3A : f32 to vector<2000x1xf32>
    %max3A_22 = arith.maximumf %slice3A, %max3A_21 : vector<2000x1xf32>
    %div3A = vector.broadcast %max3A_22 : vector<2000x1xf32> to vector<2000x128xf32>
    %div3A_23 = arith.divf %get3A_17, %div3A : vector<2000x128xf32>
    %dot_general3A = arith.constant dense<0.000000e+00> : vector<400x128xf32>
    %dot_general3A_24 = tpu.matmul %select_n3A, %div3A_23, %dot_general3A {dimension_numbers = #tpu.dot_dimension_numbers<[1], [0], [0], [1], [0, 0, 1, 1], [], []>, transpose_lhs_hint = false} : vector<400x2000xf32>, vector<2000x128xf32>, vector<400x128xf32> -> vector<400x128xf32>
    %swap3A = arith.constant 0 : index
    %swap3A_25 = arith.constant 0 : index
    %swap3A_26 = vector.load %arg5[%swap3A, %swap3A_25] : memref<400x128xf32, #tpu.memory_space<vmem>>, vector<400x128xf32>
    tpu.vector_store %arg5[%swap3A, %swap3A_25], %dot_general3A_24 {strides = array<i32>} : memref<400x128xf32, #tpu.memory_space<vmem>>, vector<400x128xf32>,
    return
  }
  func.func @transform_0(%arg0: i32) -> (i32, i32) {
    %c0_i32 = arith.constant 0 : i32
    %c0_i32_0 = arith.constant 0 : i32
    %c0_i32_1 = arith.constant 0 : i32
    return %c0_i32, %c0_i32_0 : i32, i32
  }
  func.func @transform_1(%arg0: i32) -> (i32, i32) {
    %c0_i32 = arith.constant 0 : i32
    %c0_i32_0 = arith.constant 0 : i32
    return %arg0, %c0_i32 : i32, i32
  }
  func.func @transform_2(%arg0: i32) -> (i32, i32) {
    %c0_i32 = arith.constant 0 : i32
    %c0_i32_0 = arith.constant 0 : i32
    %c0_i32_1 = arith.constant 0 : i32
    return %c0_i32, %c0_i32_0 : i32, i32
  }
  func.func @transform_3(%arg0: i32) -> (i32, i32) {
    %c0_i32 = arith.constant 0 : i32
    %c0_i32_0 = arith.constant 0 : i32
    %c0_i32_1 = arith.constant 0 : i32
    return %c0_i32, %c0_i32_0 : i32, i32
  }
  func.func @transform_4(%arg0: i32) -> (i32, i32) {
    %c0_i32 = arith.constant 0 : i32
    %c0_i32_0 = arith.constant 0 : i32
    return %arg0, %c0_i32 : i32, i32
  }
}

module attributes {stable_mosaic.version = 14 : i64} {
  func.func @_mlp_body(%arg0: i32, %arg1: memref<1x1xf32, #tpu.memory_space<smem>>, %arg2: memref<400x8xf32, #tpu.memory_space<vmem>>, %arg3: memref<8x128xf32, #tpu.memory_space<vmem>>, %arg4: memref<8x128xf32, #tpu.memory_space<vmem>>, %arg5: memref<400x128xf32, #tpu.memory_space<vmem>>, %arg6: memref<400x128xf32, #tpu.memory_space<vmem>>, %arg7: memref<128x128xf32, #tpu.memory_space<vmem>>, %arg8: memref<8x128xf32, #tpu.memory_space<vmem>>, %arg9: memref<128x128xf32, #tpu.memory_space<vmem>>, %arg10: memref<400x128xf32, #tpu.memory_space<vmem>>, %arg11: memref<400x128xf32, #tpu.memory_space<vmem>>) attributes {dimension_semantics = [#tpu.dimension_semantics<parallel>], iteration_bounds = array<i64: 5>, scalar_prefetch = 0 : i64, scratch_operands = 0 : i64, tpu.core_type = #tpu.core_type<tc>, window_params = [{transform_indices = @transform_0, window_bounds = array<i64: 1, 1>}, {transform_indices = @transform_1, window_bounds = array<i64: 400, 8>}, {pipeline_mode = #tpu.pipeline_mode<synchronous>, transform_indices = @transform_2, window_bounds = array<i64: 8, 128>}, {pipeline_mode = #tpu.pipeline_mode<synchronous>, transform_indices = @transform_3, window_bounds = array<i64: 8, 128>}, {transform_indices = @transform_4, window_bounds = array<i64: 400, 128>}, {transform_indices = @transform_5, window_bounds = array<i64: 400, 128>}, {pipeline_mode = #tpu.pipeline_mode<synchronous>, transform_indices = @transform_6, window_bounds = array<i64: 128, 128>}, {pipeline_mode = #tpu.pipeline_mode<synchronous>, transform_indices = @transform_7, window_bounds = array<i64: 8, 128>}, {pipeline_mode = #tpu.pipeline_mode<synchronous>, transform_indices = @transform_8, window_bounds = array<i64: 128, 128>}, {transform_indices = @transform_9, window_bounds = array<i64: 400, 128>}, {transform_indices = @transform_10, window_bounds = array<i64: 400, 128>}]} {
    %get3A = arith.constant 0 : index
    %get3A_0 = arith.constant 0 : index
    %get3A_1 = vector.load %arg2[%get3A, %get3A_0] : memref<400x8xf32, #tpu.memory_space<vmem>>, vector<400x8xf32>
    %get3A_2 = arith.constant 0 : index
    %get3A_3 = arith.constant 0 : index
    %get3A_4 = vector.load %arg3[%get3A_2, %get3A_3] : memref<8x128xf32, #tpu.memory_space<vmem>>, vector<8x128xf32>
    %dot_general3A = arith.constant dense<0.000000e+00> : vector<400x128xf32>
    %dot_general3A_5 = tpu.matmul %get3A_1, %get3A_4, %dot_general3A {dimension_numbers = #tpu.dot_dimension_numbers<[1], [0], [0], [1], [0, 0, 1, 1], [], []>, transpose_lhs_hint = false} : vector<400x8xf32>, vector<8x128xf32>, vector<400x128xf32> -> vector<400x128xf32>
    %get3A_6 = arith.constant 0 : index
    %get3A_7 = arith.constant 0 : index
    %get3A_8 = vector.load %arg4[%get3A_6, %get3A_7] : memref<8x128xf32, #tpu.memory_space<vmem>>, vector<1x128xf32>
    %add3A = vector.broadcast %get3A_8 : vector<1x128xf32> to vector<400x128xf32>
    %add3A_9 = arith.addf %dot_general3A_5, %add3A : vector<400x128xf32>
    %max3A = arith.constant 0.000000e+00 : f32
    %max3A_10 = vector.broadcast %max3A : f32 to vector<400x128xf32>
    %max3A_11 = arith.maximumf %add3A_9, %max3A_10 : vector<400x128xf32>
    %get3A_12 = arith.constant 0 : index
    %get3A_13 = arith.constant 0 : index
    %get3A_14 = vector.load %arg5[%get3A_12, %get3A_13] : memref<400x128xf32, #tpu.memory_space<vmem>>, vector<400x128xf32>
    %get3A_15 = arith.constant 0 : index
    %get3A_16 = arith.constant 0 : index
    %get3A_17 = vector.load %arg6[%get3A_15, %get3A_16] : memref<400x128xf32, #tpu.memory_space<vmem>>, vector<400x128xf32>
    %slice3A = vector.extract_strided_slice %get3A_17 {offsets = [0, 0], sizes = [400, 1], strides = [1, 1]} : vector<400x128xf32> to vector<400x1xf32>
    %max3A_18 = arith.constant 1.000000e+00 : f32
    %max3A_19 = vector.broadcast %max3A_18 : f32 to vector<400x1xf32>
    %max3A_20 = arith.maximumf %slice3A, %max3A_19 : vector<400x1xf32>
    %div3A = vector.broadcast %max3A_20 : vector<400x1xf32> to vector<400x128xf32>
    %div3A_21 = arith.divf %get3A_14, %div3A : vector<400x128xf32>
    %add3A_22 = arith.addf %max3A_11, %div3A_21 : vector<400x128xf32>
    %get3A_23 = arith.constant 0 : index
    %get3A_24 = arith.constant 0 : index
    %get3A_25 = vector.load %arg7[%get3A_23, %get3A_24] : memref<128x128xf32, #tpu.memory_space<vmem>>, vector<128x128xf32>
    %dot_general3A_26 = arith.constant dense<0.000000e+00> : vector<400x128xf32>
    %dot_general3A_27 = tpu.matmul %add3A_22, %get3A_25, %dot_general3A_26 {dimension_numbers = #tpu.dot_dimension_numbers<[1], [0], [0], [1], [0, 0, 1, 1], [], []>, transpose_lhs_hint = false} : vector<400x128xf32>, vector<128x128xf32>, vector<400x128xf32> -> vector<400x128xf32>
    %get3A_28 = arith.constant 0 : index
    %get3A_29 = arith.constant 0 : index
    %get3A_30 = vector.load %arg8[%get3A_28, %get3A_29] : memref<8x128xf32, #tpu.memory_space<vmem>>, vector<1x128xf32>
    %add3A_31 = vector.broadcast %get3A_30 : vector<1x128xf32> to vector<400x128xf32>
    %add3A_32 = arith.addf %dot_general3A_27, %add3A_31 : vector<400x128xf32>
    %max3A_33 = arith.constant 0.000000e+00 : f32
    %max3A_34 = vector.broadcast %max3A_33 : f32 to vector<400x128xf32>
    %max3A_35 = arith.maximumf %add3A_32, %max3A_34 : vector<400x128xf32>
    %swap3A = arith.constant 0 : index
    %swap3A_36 = arith.constant 0 : index
    %swap3A_37 = vector.load %arg10[%swap3A, %swap3A_36] : memref<400x128xf32, #tpu.memory_space<vmem>>, vector<400x128xf32>
    tpu.vector_store %arg10[%swap3A, %swap3A_36], %max3A_35 {strides = array<i32>} : memref<400x128xf32, #tpu.memory_space<vmem>>, vector<400x128xf32>,
    %get3A_38 = arith.constant 0 : index
    %get3A_39 = arith.constant 0 : index
    %get3A_40 = vector.load %arg9[%get3A_38, %get3A_39] : memref<128x128xf32, #tpu.memory_space<vmem>>, vector<128x128xf32>
    %dot_general3A_41 = arith.constant dense<0.000000e+00> : vector<400x128xf32>
    %dot_general3A_42 = tpu.matmul %max3A_35, %get3A_40, %dot_general3A_41 {dimension_numbers = #tpu.dot_dimension_numbers<[1], [0], [0], [1], [0, 0, 1, 1], [], []>, transpose_lhs_hint = false} : vector<400x128xf32>, vector<128x128xf32>, vector<400x128xf32> -> vector<400x128xf32>
    %get3A_43 = arith.constant 0 : index
    %get3A_44 = arith.constant 0 : index
    %get3A_45 = memref.load %arg1[%get3A_43, %get3A_44] : memref<1x1xf32, #tpu.memory_space<smem>>
    %add3A_46 = vector.broadcast %get3A_45 : f32 to vector<400x128xf32>
    %add3A_47 = arith.addf %dot_general3A_42, %add3A_46 : vector<400x128xf32>
    %swap3A_48 = arith.constant 0 : index
    %swap3A_49 = arith.constant 0 : index
    %swap3A_50 = vector.load %arg11[%swap3A_48, %swap3A_49] : memref<400x128xf32, #tpu.memory_space<vmem>>, vector<400x128xf32>
    tpu.vector_store %arg11[%swap3A_48, %swap3A_49], %add3A_47 {strides = array<i32>} : memref<400x128xf32, #tpu.memory_space<vmem>>, vector<400x128xf32>,
    return
  }
  func.func @transform_0(%arg0: i32) -> (i32, i32) {
    %c0_i32 = arith.constant 0 : i32
    %c0_i32_0 = arith.constant 0 : i32
    %c0_i32_1 = arith.constant 0 : i32
    return %c0_i32, %c0_i32_0 : i32, i32
  }
  func.func @transform_1(%arg0: i32) -> (i32, i32) {
    %c0_i32 = arith.constant 0 : i32
    %c0_i32_0 = arith.constant 0 : i32
    return %arg0, %c0_i32 : i32, i32
  }
  func.func @transform_2(%arg0: i32) -> (i32, i32) {
    %c0_i32 = arith.constant 0 : i32
    %c0_i32_0 = arith.constant 0 : i32
    %c0_i32_1 = arith.constant 0 : i32
    return %c0_i32, %c0_i32_0 : i32, i32
  }
  func.func @transform_3(%arg0: i32) -> (i32, i32) {
    %c0_i32 = arith.constant 0 : i32
    %c0_i32_0 = arith.constant 0 : i32
    %c0_i32_1 = arith.constant 0 : i32
    return %c0_i32, %c0_i32_0 : i32, i32
  }
  func.func @transform_4(%arg0: i32) -> (i32, i32) {
    %c0_i32 = arith.constant 0 : i32
    %c0_i32_0 = arith.constant 0 : i32
    return %arg0, %c0_i32 : i32, i32
  }
  func.func @transform_5(%arg0: i32) -> (i32, i32) {
    %c0_i32 = arith.constant 0 : i32
    %c0_i32_0 = arith.constant 0 : i32
    return %arg0, %c0_i32 : i32, i32
  }
  func.func @transform_6(%arg0: i32) -> (i32, i32) {
    %c0_i32 = arith.constant 0 : i32
    %c0_i32_0 = arith.constant 0 : i32
    %c0_i32_1 = arith.constant 0 : i32
    return %c0_i32, %c0_i32_0 : i32, i32
  }
  func.func @transform_7(%arg0: i32) -> (i32, i32) {
    %c0_i32 = arith.constant 0 : i32
    %c0_i32_0 = arith.constant 0 : i32
    %c0_i32_1 = arith.constant 0 : i32
    return %c0_i32, %c0_i32_0 : i32, i32
  }
  func.func @transform_8(%arg0: i32) -> (i32, i32) {
    %c0_i32 = arith.constant 0 : i32
    %c0_i32_0 = arith.constant 0 : i32
    %c0_i32_1 = arith.constant 0 : i32
    return %c0_i32, %c0_i32_0 : i32, i32
  }
  func.func @transform_9(%arg0: i32) -> (i32, i32) {
    %c0_i32 = arith.constant 0 : i32
    %c0_i32_0 = arith.constant 0 : i32
    return %arg0, %c0_i32 : i32, i32
  }
  func.func @transform_10(%arg0: i32) -> (i32, i32) {
    %c0_i32 = arith.constant 0 : i32
    %c0_i32_0 = arith.constant 0 : i32
    return %arg0, %c0_i32 : i32, i32
  }
}

module attributes {stable_mosaic.version = 14 : i64} {
  func.func @_deg_nbr_body(%arg0: i32, %arg1: memref<400x2000xf32, #tpu.memory_space<vmem>>, %arg2: memref<8x2000xf32, #tpu.memory_space<vmem>>, %arg3: memref<400x128xf32, #tpu.memory_space<vmem>>, %arg4: memref<400x128xf32, #tpu.memory_space<vmem>>) attributes {dimension_semantics = [#tpu.dimension_semantics<parallel>], iteration_bounds = array<i64: 5>, scalar_prefetch = 0 : i64, scratch_operands = 0 : i64, tpu.core_type = #tpu.core_type<tc>, window_params = [{transform_indices = @transform_0, window_bounds = array<i64: 400, 2000>}, {pipeline_mode = #tpu.pipeline_mode<synchronous>, transform_indices = @transform_1, window_bounds = array<i64: 8, 2000>}, {transform_indices = @transform_2, window_bounds = array<i64: 400, 128>}, {transform_indices = @transform_3, window_bounds = array<i64: 400, 128>}]} {
    %get3A = arith.constant 0 : index
    %get3A_0 = arith.constant 0 : index
    %get3A_1 = vector.load %arg1[%get3A, %get3A_0] : memref<400x2000xf32, #tpu.memory_space<vmem>>, vector<400x2000xf32>
    %add3A = arith.addf %get3A_1, %get3A_1 : vector<400x2000xf32>
    %gt3A = arith.constant 1.000000e+00 : f32
    %gt3A_2 = vector.broadcast %gt3A : f32 to vector<400x2000xf32>
    %gt3A_3 = arith.cmpf ogt, %add3A, %gt3A_2 : vector<400x2000xf32>
    %convert_element_type3A = arith.extui %gt3A_3 : vector<400x2000xi1> to vector<400x2000xi32>
    %convert_element_type3A_4 = arith.sitofp %convert_element_type3A : vector<400x2000xi32> to vector<400x2000xf32>
    %reduce_sum3A = arith.constant dense<0.000000e+00> : vector<400xf32>
    %reduce_sum3A_5 = vector.multi_reduction <add>, %convert_element_type3A_4, %reduce_sum3A [1] : vector<400x2000xf32> to vector<400xf32>
    %broadcast_in_dim3A = vector.shape_cast %reduce_sum3A_5 : vector<400xf32> to vector<400x1xf32>
    %broadcast_in_dim3A_6 = arith.constant 0.000000e+00 : f32
    %broadcast_in_dim3A_7 = vector.broadcast %broadcast_in_dim3A_6 : f32 to vector<400x128xf32>
    %add3A_8 = vector.broadcast %broadcast_in_dim3A : vector<400x1xf32> to vector<400x128xf32>
    %add3A_9 = arith.addf %add3A_8, %broadcast_in_dim3A_7 : vector<400x128xf32>
    %swap3A = arith.constant 0 : index
    %swap3A_10 = arith.constant 0 : index
    %swap3A_11 = vector.load %arg3[%swap3A, %swap3A_10] : memref<400x128xf32, #tpu.memory_space<vmem>>, vector<400x128xf32>
    tpu.vector_store %arg3[%swap3A, %swap3A_10], %add3A_9 {strides = array<i32>} : memref<400x128xf32, #tpu.memory_space<vmem>>, vector<400x128xf32>,
    %get3A_12 = arith.constant 0 : index
    %get3A_13 = arith.constant 0 : index
    %get3A_14 = vector.load %arg2[%get3A_12, %get3A_13] : memref<8x2000xf32, #tpu.memory_space<vmem>>, vector<8x2000xf32>
    %slice3A = vector.extract_strided_slice %get3A_14 {offsets = [0, 0], sizes = [1, 2000], strides = [1, 1]} : vector<8x2000xf32> to vector<1x2000xf32>
    %jit3A = arith.constant 0xFF800000 : f32
    %broadcast_in_dim3A_15 = vector.shape_cast %slice3A : vector<1x2000xf32> to vector<1x2000xf32>
    %broadcast_in_dim3A_16 = vector.broadcast %broadcast_in_dim3A_15 : vector<1x2000xf32> to vector<400x2000xf32>
    %broadcast_in_dim3A_17 = vector.broadcast %jit3A : f32 to vector<400x2000xf32>
    %select_n3A = arith.select %gt3A_3, %broadcast_in_dim3A_16, %broadcast_in_dim3A_17 : vector<400x2000xi1>, vector<400x2000xf32>
    %reduce_max3A = arith.constant dense<0xFF800000> : vector<400xf32>
    %reduce_max3A_18 = vector.multi_reduction <maximumf>, %select_n3A, %reduce_max3A [1] : vector<400x2000xf32> to vector<400xf32>
    %broadcast_in_dim3A_19 = vector.shape_cast %reduce_max3A_18 : vector<400xf32> to vector<400x1xf32>
    %broadcast_in_dim3A_20 = arith.constant 0.000000e+00 : f32
    %broadcast_in_dim3A_21 = vector.broadcast %broadcast_in_dim3A_20 : f32 to vector<400x128xf32>
    %add3A_22 = vector.broadcast %broadcast_in_dim3A_19 : vector<400x1xf32> to vector<400x128xf32>
    %add3A_23 = arith.addf %add3A_22, %broadcast_in_dim3A_21 : vector<400x128xf32>
    %swap3A_24 = arith.constant 0 : index
    %swap3A_25 = arith.constant 0 : index
    %swap3A_26 = vector.load %arg4[%swap3A_24, %swap3A_25] : memref<400x128xf32, #tpu.memory_space<vmem>>, vector<400x128xf32>
    tpu.vector_store %arg4[%swap3A_24, %swap3A_25], %add3A_23 {strides = array<i32>} : memref<400x128xf32, #tpu.memory_space<vmem>>, vector<400x128xf32>,
    return
  }
  func.func @transform_0(%arg0: i32) -> (i32, i32) {
    %c0_i32 = arith.constant 0 : i32
    %c0_i32_0 = arith.constant 0 : i32
    return %arg0, %c0_i32 : i32, i32
  }
  func.func @transform_1(%arg0: i32) -> (i32, i32) {
    %c0_i32 = arith.constant 0 : i32
    %c0_i32_0 = arith.constant 0 : i32
    %c0_i32_1 = arith.constant 0 : i32
    return %c0_i32, %c0_i32_0 : i32, i32
  }
  func.func @transform_2(%arg0: i32) -> (i32, i32) {
    %c0_i32 = arith.constant 0 : i32
    %c0_i32_0 = arith.constant 0 : i32
    return %arg0, %c0_i32 : i32, i32
  }
  func.func @transform_3(%arg0: i32) -> (i32, i32) {
    %c0_i32 = arith.constant 0 : i32
    %c0_i32_0 = arith.constant 0 : i32
    return %arg0, %c0_i32 : i32, i32
  }
}

module attributes {stable_mosaic.version = 14 : i64} {
  func.func @_xyz_body(%arg0: i32, %arg1: memref<400x2000xf32, #tpu.memory_space<vmem>>, %arg2: memref<8x2000xf32, #tpu.memory_space<vmem>>, %arg3: memref<400x128xf32, #tpu.memory_space<vmem>>, %arg4: memref<400x128xf32, #tpu.memory_space<vmem>>) attributes {dimension_semantics = [#tpu.dimension_semantics<parallel>], iteration_bounds = array<i64: 5>, scalar_prefetch = 0 : i64, scratch_operands = 0 : i64, tpu.core_type = #tpu.core_type<tc>, window_params = [{transform_indices = @transform_0, window_bounds = array<i64: 400, 2000>}, {pipeline_mode = #tpu.pipeline_mode<synchronous>, transform_indices = @transform_1, window_bounds = array<i64: 8, 2000>}, {transform_indices = @transform_2, window_bounds = array<i64: 400, 128>}, {transform_indices = @transform_3, window_bounds = array<i64: 400, 128>}]} {
    %get3A = arith.constant 0 : index
    %get3A_0 = arith.constant 0 : index
    %get3A_1 = vector.load %arg1[%get3A, %get3A_0] : memref<400x2000xf32, #tpu.memory_space<vmem>>, vector<400x2000xf32>
    %add3A = arith.addf %get3A_1, %get3A_1 : vector<400x2000xf32>
    %gt3A = arith.constant 1.000000e+00 : f32
    %gt3A_2 = vector.broadcast %gt3A : f32 to vector<400x2000xf32>
    %gt3A_3 = arith.cmpf ogt, %add3A, %gt3A_2 : vector<400x2000xf32>
    %convert_element_type3A = arith.extui %gt3A_3 : vector<400x2000xi1> to vector<400x2000xi32>
    %convert_element_type3A_4 = arith.sitofp %convert_element_type3A : vector<400x2000xi32> to vector<400x2000xf32>
    %get3A_5 = arith.constant 0 : index
    %get3A_6 = arith.constant 0 : index
    %get3A_7 = vector.load %arg2[%get3A_5, %get3A_6] : memref<8x2000xf32, #tpu.memory_space<vmem>>, vector<8x2000xf32>
    %slice3A = vector.extract_strided_slice %get3A_7 {offsets = [0, 0], sizes = [1, 2000], strides = [1, 1]} : vector<8x2000xf32> to vector<1x2000xf32>
    %mul3A = vector.broadcast %slice3A : vector<1x2000xf32> to vector<400x2000xf32>
    %mul3A_8 = arith.mulf %convert_element_type3A_4, %mul3A : vector<400x2000xf32>
    %reduce_sum3A = arith.constant dense<0.000000e+00> : vector<400xf32>
    %reduce_sum3A_9 = vector.multi_reduction <add>, %mul3A_8, %reduce_sum3A [1] : vector<400x2000xf32> to vector<400xf32>
    %broadcast_in_dim3A = vector.shape_cast %reduce_sum3A_9 : vector<400xf32> to vector<400x1xf32>
    %get3A_10 = arith.constant 0 : index
    %get3A_11 = arith.constant 0 : index
    %get3A_12 = vector.load %arg3[%get3A_10, %get3A_11] : memref<400x128xf32, #tpu.memory_space<vmem>>, vector<400x128xf32>
    %slice3A_13 = vector.extract_strided_slice %get3A_12 {offsets = [0, 0], sizes = [400, 1], strides = [1, 1]} : vector<400x128xf32> to vector<400x1xf32>
    %mul3A_14 = arith.mulf %slice3A_13, %slice3A_13 : vector<400x1xf32>
    %sub3A = arith.subf %mul3A_14, %broadcast_in_dim3A : vector<400x1xf32>
    %broadcast_in_dim3A_15 = arith.constant 0.000000e+00 : f32
    %broadcast_in_dim3A_16 = vector.broadcast %broadcast_in_dim3A_15 : f32 to vector<400x128xf32>
    %add3A_17 = vector.broadcast %sub3A : vector<400x1xf32> to vector<400x128xf32>
    %add3A_18 = arith.addf %add3A_17, %broadcast_in_dim3A_16 : vector<400x128xf32>
    %swap3A = arith.constant 0 : index
    %swap3A_19 = arith.constant 0 : index
    %swap3A_20 = vector.load %arg4[%swap3A, %swap3A_19] : memref<400x128xf32, #tpu.memory_space<vmem>>, vector<400x128xf32>
    tpu.vector_store %arg4[%swap3A, %swap3A_19], %add3A_18 {strides = array<i32>} : memref<400x128xf32, #tpu.memory_space<vmem>>, vector<400x128xf32>,
    return
  }
  func.func @transform_0(%arg0: i32) -> (i32, i32) {
    %c0_i32 = arith.constant 0 : i32
    %c0_i32_0 = arith.constant 0 : i32
    return %arg0, %c0_i32 : i32, i32
  }
  func.func @transform_1(%arg0: i32) -> (i32, i32) {
    %c0_i32 = arith.constant 0 : i32
    %c0_i32_0 = arith.constant 0 : i32
    %c0_i32_1 = arith.constant 0 : i32
    return %c0_i32, %c0_i32_0 : i32, i32
  }
  func.func @transform_2(%arg0: i32) -> (i32, i32) {
    %c0_i32 = arith.constant 0 : i32
    %c0_i32_0 = arith.constant 0 : i32
    return %arg0, %c0_i32 : i32, i32
  }
  func.func @transform_3(%arg0: i32) -> (i32, i32) {
    %c0_i32 = arith.constant 0 : i32
    %c0_i32_0 = arith.constant 0 : i32
    return %arg0, %c0_i32 : i32, i32
  }
}

module attributes {stable_mosaic.version = 14 : i64} {
  func.func @_m_body(%arg0: i32, %arg1: memref<1x1xf32, #tpu.memory_space<smem>>, %arg2: memref<400x128xf32, #tpu.memory_space<vmem>>, %arg3: memref<2000x128xf32, #tpu.memory_space<vmem>>, %arg4: memref<400x2000xf32, #tpu.memory_space<vmem>>) attributes {dimension_semantics = [#tpu.dimension_semantics<parallel>], iteration_bounds = array<i64: 5>, scalar_prefetch = 0 : i64, scratch_operands = 0 : i64, tpu.core_type = #tpu.core_type<tc>, window_params = [{transform_indices = @transform_0, window_bounds = array<i64: 1, 1>}, {transform_indices = @transform_1, window_bounds = array<i64: 400, 128>}, {pipeline_mode = #tpu.pipeline_mode<synchronous>, transform_indices = @transform_2, window_bounds = array<i64: 2000, 128>}, {transform_indices = @transform_3, window_bounds = array<i64: 400, 2000>}]} {
    %get3A = arith.constant 0 : index
    %get3A_0 = arith.constant 0 : index
    %get3A_1 = vector.load %arg2[%get3A, %get3A_0] : memref<400x128xf32, #tpu.memory_space<vmem>>, vector<400x128xf32>
    %get3A_2 = arith.constant 0 : index
    %get3A_3 = arith.constant 0 : index
    %get3A_4 = vector.load %arg3[%get3A_2, %get3A_3] : memref<2000x128xf32, #tpu.memory_space<vmem>>, vector<2000x128xf32>
    %dot_general3A = arith.constant dense<0.000000e+00> : vector<400x2000xf32>
    %dot_general3A_5 = tpu.matmul %get3A_1, %get3A_4, %dot_general3A {dimension_numbers = #tpu.dot_dimension_numbers<[1], [1], [0], [0], [0, 0, 1, 0], [], []>, transpose_lhs_hint = false} : vector<400x128xf32>, vector<2000x128xf32>, vector<400x2000xf32> -> vector<400x2000xf32>
    %sub3A = arith.constant 1.000000e+00 : f32
    %sub3A_6 = vector.broadcast %sub3A : f32 to vector<400x2000xf32>
    %sub3A_7 = arith.subf %sub3A_6, %dot_general3A_5 : vector<400x2000xf32>
    %get3A_8 = arith.constant 0 : index
    %get3A_9 = arith.constant 0 : index
    %get3A_10 = memref.load %arg1[%get3A_8, %get3A_9] : memref<1x1xf32, #tpu.memory_space<smem>>
    %div3A = vector.broadcast %get3A_10 : f32 to vector<400x2000xf32>
    %div3A_11 = arith.divf %sub3A_7, %div3A : vector<400x2000xf32>
    %sub3A_12 = arith.constant 1.000000e+00 : f32
    %sub3A_13 = vector.broadcast %sub3A_12 : f32 to vector<400x2000xf32>
    %sub3A_14 = arith.subf %sub3A_13, %div3A_11 : vector<400x2000xf32>
    %jit3A = arith.constant 0.000000e+00 : f32
    %jit3A_15 = arith.constant 1.000000e+00 : f32
    %max3A = vector.broadcast %jit3A : f32 to vector<400x2000xf32>
    %max3A_16 = arith.maximumf %max3A, %sub3A_14 : vector<400x2000xf32>
    %min3A = vector.broadcast %jit3A_15 : f32 to vector<400x2000xf32>
    %min3A_17 = arith.minimumf %min3A, %max3A_16 : vector<400x2000xf32>
    %mul3A = arith.constant 400 : i32
    %mul3A_18 = arith.muli %arg0, %mul3A : i32
    %iota3A = tpu.iota {dimensions = array<i32: 0>} : vector<400x2000xi32>
    %add3A = vector.broadcast %mul3A_18 : i32 to vector<400x2000xi32>
    %add3A_19 = arith.addi %add3A, %iota3A : vector<400x2000xi32>
    %iota3A_20 = tpu.iota {dimensions = array<i32: 1>} : vector<400x2000xi32>
    %eq3A = arith.cmpi eq, %add3A_19, %iota3A_20 : vector<400x2000xi32>
    %convert_element_type3A = arith.extui %eq3A : vector<400x2000xi1> to vector<400x2000xi32>
    %convert_element_type3A_21 = arith.sitofp %convert_element_type3A : vector<400x2000xi32> to vector<400x2000xf32>
    %sub3A_22 = arith.constant 1.000000e+00 : f32
    %sub3A_23 = vector.broadcast %sub3A_22 : f32 to vector<400x2000xf32>
    %sub3A_24 = arith.subf %sub3A_23, %convert_element_type3A_21 : vector<400x2000xf32>
    %mul3A_25 = arith.mulf %min3A_17, %sub3A_24 : vector<400x2000xf32>
    %swap3A = arith.constant 0 : index
    %swap3A_26 = arith.constant 0 : index
    %swap3A_27 = vector.load %arg4[%swap3A, %swap3A_26] : memref<400x2000xf32, #tpu.memory_space<vmem>>, vector<400x2000xf32>
    tpu.vector_store %arg4[%swap3A, %swap3A_26], %mul3A_25 {strides = array<i32>} : memref<400x2000xf32, #tpu.memory_space<vmem>>, vector<400x2000xf32>,
    return
  }
  func.func @transform_0(%arg0: i32) -> (i32, i32) {
    %c0_i32 = arith.constant 0 : i32
    %c0_i32_0 = arith.constant 0 : i32
    %c0_i32_1 = arith.constant 0 : i32
    return %c0_i32, %c0_i32_0 : i32, i32
  }
  func.func @transform_1(%arg0: i32) -> (i32, i32) {
    %c0_i32 = arith.constant 0 : i32
    %c0_i32_0 = arith.constant 0 : i32
    return %arg0, %c0_i32 : i32, i32
  }
  func.func @transform_2(%arg0: i32) -> (i32, i32) {
    %c0_i32 = arith.constant 0 : i32
    %c0_i32_0 = arith.constant 0 : i32
    %c0_i32_1 = arith.constant 0 : i32
    return %c0_i32, %c0_i32_0 : i32, i32
  }
  func.func @transform_3(%arg0: i32) -> (i32, i32) {
    %c0_i32 = arith.constant 0 : i32
    %c0_i32_0 = arith.constant 0 : i32
    return %arg0, %c0_i32 : i32, i32
  }
}

</mosaic_0001>

<sc_bundles>
// kernel: gather_offload_async_start
scs
__scs_entry_jumppad:
0x0: {  	(pc) =	sbr.rel $0x88, $3  }
0x1: {  	(tag) =	ssettag $0x0;
	lr =	simm.s32 $0x1  }
0x2: {  	[smem:$0x3F97] =	sst lr;
	_ =	strace $0xD0000000  }
0x3: {  	_ = 	snop  }
0x4: {  	_ = 	snop  }
0x5: {  	_ = 	snop  }
0x6: {  	_ = 	snop  }
0x7: {  	_ = 	snop  }
__scs_overlays_trampoline_lowered:
0x8: {  	[smem:$0x3FA6] =	sst s0  }
0x9: {  	[smem:$0x3FA7] =	sst s1  }
0xa: {  	[smem:$0x3FA8] =	sst s2  }
0xb: {  	[smem:$0x3FA9] =	sst s3  }
0xc: {  	[smem:$0x3FAA] =	sst s4  }
0xd: {  	[smem:$0x3FAB] =	sst s5  }
0xe: {  	[smem:$0x3FAC] =	sst s6  }
0xf: {  	[smem:$0x3FAD] =	sst s7  }
0x10: {  	[smem:$0x3FAE] =	sst s8  }
0x11: {  	[smem:$0x3FAF] =	sst s9;
	s0 =	simm.s32 @!p0 $0x0  }
0x12: {  	s1 =	sld [smem:$0x3F95];
	s0 =	simm.s32 @p0 $0x1  }
0x13: {  	[smem:$0x3FB0] =	sst s0;
	s0 =	simm.s32 @!p1 $0x0  }
0x14: {  	s2 =	sld [smem:$0x3F94];
	s0 =	simm.s32 @p1 $0x1  }
0x15: {  	[smem:$0x3FB1] =	sst s0;
	s0 =	simm.s32 @!p2 $0x0  }
0x16: {  	s3 =	sld [smem:$0x3FDB];
	s0 =	simm.s32 @p2 $0x1  }
0x17: {  	s4 =	simm.s32 $0x1BF5;
	[smem:$0x3FB3] =	sst s0  }
0x18: {  	s0 =	sld [smem:$0x3F96];
	_ =	swait.ge [sflag:s4], $0x0  }
0x19: {  	s7 =	sld [smem:$0x3F97]  }
0x1a: {  	s8 =	sadd.s32 $0xFFFFE003, lr  }
0x1b: {  	s9 =	sadd.s32 $0xFFFFFEF7, lr;
	s5 =	simm.s32 $0xFFFFFFFF;
	p2 =	slt.u32 s8, $0xFFFFF086  }
0x1c: {  	p1 =	slt.u32 s9, $0xF7A;
	s5 =	simm.s32 @!p2 $0x0  }
0x1d: {  	s5 =	simm.s32 @p1 $0x1;
	p0 =	seq.s32 s7, s2  }
0x1e: {  	s7 =	smul.u32 @!p0 $0xF7A, s2;
	p2 =	seq.s32 @!p0 s5, $0x0  }
0x1f: {  	s9 =	smul.u32 $0xF7A, s1;
	s8 =	simm.s32 @!p0 $0x1BF5;
	p2 =	por !p2, p0  }
0x20: {  	[sflag:s8] =	ssyncset.s32 @!p0 $0xFFFFF086;
	s6 =	sadd.s32 @!p0 s3, s7;
	s7 =	simm.s32 @!p0 $0x108  }
0x21: {  	s3 =	sadd.s32 s3, s9;
	s6 =	sadd.s32 @!p0 $0x88, s6;
	s7 =	simm.s32 @p2 $0x1082  }
0x22: {  	[simem:s7], [sflag:s8] =	dma.local @!p0 [hbm:s6], $0xF7A  }
0x23: {  	s9 =	sor.u32 $0xD0000000, s2;
	s6 =	simm.s32 $0x108;
	_ =	swait.ge @!p0 [sflag:s8], $0x0  }
0x24: {  	s3 =	sadd.s32 $0x88, s3;
	s6 =	simm.s32 @!p1 $0x1082;
	[sflag:s4] =	ssyncset.s32 $0xFFFFF086  }
0x25: {  	[simem:s6], [sflag:s4] =	dma.local [hbm:s3], $0xF7A  }
0x26: {  	[smem:$0x3F97] =	sst s1;
	(tag) =	ssettag s2;
	_ =	strace s9  }
0x27: {  	s1 =	sld [smem:$0x3FA7]  }
0x28: {  	s2 =	sld [smem:$0x3FA8]  }
0x29: {  	s4 =	sld [smem:$0x3FAA]  }
0x2a: {  	p0 =	seq.s32 s5, $0x0;
	s5 =	sld [smem:$0x3FAB]  }
0x2b: {  	s6 =	sld [smem:$0x3FAC]  }
0x2c: {  	s7 =	sld [smem:$0x3FAD]  }
0x2d: {  	s3 =	simm.s32 $0x108;
	s8 =	sld [smem:$0x3FAE]  }
0x2e: {  	s3 =	simm.s32 @!p0 $0x1082;
	s9 =	sld [smem:$0x3FAF]  }
0x2f: {  	lr =	sadd.s32 s0, s3;
	s0 =	sld [smem:$0x3FA6]  }
0x30: {  	s3 =	sld [smem:$0x3FA9]  }
0x31: {  	[smem:$0x3FB2] =	sst s10  }
0x32: {  	s10 =	sld [smem:$0x3FB0];
	_ =	sdelay $0x3  }
0x33: {  	p0 =	seq.s32 s10, $0x1;
	s10 =	sld [smem:$0x3FB2];
	_ =	sdelay $0x3  }
0x34: {  	[smem:$0x3FB2] =	sst s10  }
0x35: {  	s10 =	sld [smem:$0x3FB1];
	_ =	sdelay $0x3  }
0x36: {  	p1 =	seq.s32 s10, $0x1;
	s10 =	sld [smem:$0x3FB2];
	_ =	sdelay $0x3  }
0x37: {  	[smem:$0x3FB2] =	sst s10  }
0x38: {  	s10 =	sld [smem:$0x3FB3]  }
0x39: {  	_ = 	snop;
	(pc) =	sbr.ind lr, $3  }
0x3a: {  	_ = 	snop  }
0x3b: {  	_ = 	snop  }
0x3c: {  	p2 =	seq.s32 s10, $0x1;
	s10 =	sld [smem:$0x3FB2]  }
0x3d: {  	_ =	shalt  }
0x3e: {  	_ =	shalt  }
0x3f: {  	_ =	shalt  }
0x40: {  	_ =	shalt  }
0x41: {  	_ =	shalt  }
0x42: {  	_ =	shalt  }
0x43: {  	_ =	shalt  }
0x44: {  	_ =	shalt  }
0x45: {  	_ =	shalt  }
0x46: {  	_ =	shalt  }
0x47: {  	_ =	shalt  }
0x48: {  	_ =	shalt  }
0x49: {  	_ =	shalt  }
0x4a: {  	_ =	shalt  }
0x4b: {  	_ =	shalt  }
0x4c: {  	_ =	shalt  }
0x4d: {  	_ =	shalt  }
0x4e: {  	_ =	shalt  }
0x4f: {  	_ =	shalt  }
0x50: {  	_ =	shalt  }
0x51: {  	_ =	shalt  }
0x52: {  	_ =	shalt  }
0x53: {  	_ =	shalt  }
0x54: {  	_ =	shalt  }
0x55: {  	_ =	shalt  }
0x56: {  	_ =	shalt  }
0x57: {  	_ =	shalt  }
0x58: {  	_ =	shalt  }
0x59: {  	_ =	shalt  }
0x5a: {  	_ =	shalt  }
0x5b: {  	_ =	shalt  }
0x5c: {  	_ =	shalt  }
0x5d: {  	_ =	shalt  }
0x5e: {  	_ =	shalt  }
0x5f: {  	_ =	shalt  }
0x60: {  	_ =	shalt  }
0x61: {  	_ =	shalt  }
0x62: {  	_ =	shalt  }
0x63: {  	_ =	shalt  }
0x64: {  	_ =	shalt  }
0x65: {  	_ =	shalt  }
0x66: {  	_ =	shalt  }
0x67: {  	_ =	shalt  }
0x68: {  	_ =	shalt  }
0x69: {  	_ =	shalt  }
0x6a: {  	_ =	shalt  }
0x6b: {  	_ =	shalt  }
0x6c: {  	_ =	shalt  }
0x6d: {  	_ =	shalt  }
0x6e: {  	_ =	shalt  }
0x6f: {  	_ =	shalt  }
0x70: {  	_ =	shalt  }
0x71: {  	_ =	shalt  }
0x72: {  	_ =	shalt  }
0x73: {  	_ =	shalt  }
0x74: {  	_ =	shalt  }
0x75: {  	_ =	shalt  }
0x76: {  	_ =	shalt  }
0x77: {  	_ =	shalt  }
0x78: {  	_ =	shalt  }
0x79: {  	_ =	shalt  }
0x7a: {  	_ =	shalt  }
0x7b: {  	_ =	shalt  }
0x7c: {  	_ =	shalt  }
0x7d: {  	_ =	shalt  }
0x7e: {  	_ =	shalt  }
0x7f: {  	_ =	shalt  }
0x80: {  	_ =	shalt  }
0x81: {  	_ =	shalt  }
0x82: {  	_ =	shalt  }
0x83: {  	_ =	shalt  }
0x84: {  	_ =	shalt  }
0x85: {  	_ =	shalt  }
0x86: {  	_ =	shalt  }
0x87: {  	_ =	shalt  }
.Lfunc_end0:
.L_simem_size_0:
called_computation_lowered:
.L_overlay_start_0:
0x88: {  	s0 =	sld [smem:$0x3FD9]  }
0x89: {  	s1 =	sld [smem:$0x3FFE];
	_ =	sdelay $0x3  }
0x8a: {  	s0 =	sadd.s32 s1, s0  }
0x8b: {  	[smem:$0x3FBE] =	sst s0  }
0x8c: {  	_ = 	snop  }
0x8d: {  	(tm) =	ssettm $0x1  }
0x8e: {  	s15 =	sld [smem:$0x3FFB];
	_ =	sdelay $0x3  }
0x8f: {  	_ =	strace s15  }
0x90: {  	s0 =	sld [smem:$0x3FFC];
	_ =	sdelay $0x3  }
0x91: {  	_ =	strace s0  }
0x92: {  	s0 =	sld [smem:$0x3FFD];
	_ =	sdelay $0x3  }
0x93: {  	_ =	strace s0  }
0x94: {  	_ =	strace $0x8FFFFFFF  }
0x95: {  	s16 =	sld [smem:$0x3FDB];
	_ =	sdelay $0x1  }
0x96: {  	s17 =	simm.s32 $_scs_section_size  }
0x97: {  	s2 =	simm.s32 $_size__tile_overlayer_lowered;
	s3 =	simm.s32 $_tile_overlayer_lowered  }
0x98: {  	s20 =	simm.s32 $0x1BFF;
	s19 =	sshll.u32 s3, $0x1;
	s0 =	sadd.s32 s17, s16  }
0x99: {  	s4 =	simm.s32 $0x0;
	s18 =	sshll.u32 s2, $0x1;
	s2 =	sadd.s32 s19, s0  }
0x9a: {  	[timem:s4], [sflag:s20] =	dma.local [hbm:s2], s18  }
0x9b: {  	_ =	swait.ge [sflag:s20], s18  }
0x9c: {  	s1 =	ssub.s32 $0x0, s18;
	[sflag:s20] =	ssyncset.done $0x0  }
0x9d: {  	[sflag:s20] =	ssyncadd.s32 s1;
	_ =	sdelay $0x1  }
0x9e: {  	s21 =	simm.s32 $0x1B8B  }
0x9f: {  	_ =	swait.ge [sflag:s21], $0x1  }
0xa0: {  	[sflag:s21] =	ssyncset.done $0x0  }
0xa1: {  	s23 =	simm.s32 $0x1B8E;
	s22 =	sld [smem:$0x3FFE];
	[sflag:s21] =	ssyncadd.s32 $0xFFFFFFFF  }
0xa2: {  	s24 =	simm.s32 $execute0_lowered;
	[smem:$0x3FD2] =	sst s23  }
0xa3: {  	s2 =	sshll.u32 s24, $0x1;
	_ =	strace $0x80000046;
	[dreg:$0x1] =	wrdreg $0xFFFFFFFF  }
0xa4: {  	s25 =	simm.s32 $_size_execute0_lowered;
	s0 =	sadd.s32 s0, s2;
	[dreg:$0x0] =	wrdreg $0x0  }
0xa5: {  	s2 =	sshll.u32 s25, $0x1;
	[dreg:$0x2] =	wrdreg s0  }
0xa6: {  	[dreg:$0x3] =	wrdreg s2  }
0xa7: {  	[dreg:$0x4] =	wrdreg $0xC0  }
0xa8: {  	_ =	task [dreg:s4], $0x5FFFF  }
0xa9: {  	[dreg:$0x1] =	wrdreg $0xFFFFFFFF  }
0xaa: {  	[dreg:$0x0] =	wrdreg $0x60  }
0xab: {  	[dreg:$0x2] =	wrdreg s22  }
0xac: {  	[dreg:$0x3] =	wrdreg $0x9  }
0xad: {  	_ =	task.clear_ibuf [dreg:s4], $0x4FFFF;
	_ =	strace $0x90000046  }
0xae: {  	s26 =	simm.s32 $0x9;
	_ =	strace $0x80000048  }
0xaf: {  	_ =	swait.ge [sflag:s26], $0x1  }
0xb0: {  	[sflag:s26] =	ssyncadd.s32 $0xFFFFFFFF  }
0xb1: {  	_ =	strace $0x90000048  }
0xb2: {  	_ =	sfence  }
0xb3: {  	s28 =	sld [smem:$0x0];
	_ =	sdelay $0x1  }
0xb4: {  	s29 =	srdreg.scid  }
0xb5: {  	s30 =	sshll.u32 s29, $0xD;
	s31 =	sshrl.u32 s29, $0x2  }
0xb6: {  	s1 =	sand.u32 $0x1, s29;
	s2 =	sand.u32 $0x4000, s30;
	s0 =	sadd.s32 s31, s28  }
0xb7: {  	s1 =	sor.u32 s2, s1;
	s0 =	sshll.u32 s0, $0x11  }
0xb8: {  	s0 =	sor.u32 s0, s1  }
0xb9: {  	s0 =	sadd.s32 $0x8F2B, s0  }
0xba: {  	[sflag:s0] =	ssyncadd.remote.s32 $0x1  }
0xbb: {  	_ =	sfence.sel $0xFFFF  }
0xbc: {  	[dreg:$0x0] =	wrdreg $0xFFFFFFFF;
	(pc) =	sbr.abs _section_cstart, $3  }
0xbd: {  	[dreg:$0x1] =	wrdreg $0xFFFFFFFF  }
0xbe: {  	_ =	task.clear_ibuf [dreg:s4], $0x2FFFF;
	_ =	strace $0x9FFFFFFF  }
0xbf: {  	(tm) =	ssettm $0x7FFFFFFF  }
tec
execute0_lowered:
.L_overlay_start_1:
0x0: {  	(tag) =	ssettag $0x1  }
0x1: {  	s0 =	stileid.u32  }
0x2: {  	s3 =	simm.s32 $0x200;
	s7 =	rddreg [dreg:$0x0];
	s10 =	simm.s32 $0x1  }
0x3: {  	s6 =	simm.s32 $0x2;
	s1 =	smin.u32 s0, $0x4;
	p0 =	slt.u32 s0, $0x4  }
0x4: {  	s11 =	simm.s32 $0x4;
	s2 =	sshll.u32 s1, $0x9;
	s3 =	simm.s32 @!p0 $0x0  }
0x5: {  	s12 =	simm.s32 $0xFFFFF800;
	s13 =	simm.s32 $0xFFFFFE00;
	s1 =	sadd.s32 s3, s2  }
0x6: {  	s14 =	simm.s32 $0xFFFFFFFF;
	s18 =	simm.s32 $0x0;
	s3 =	smin.u32 s1, $0x7D0  }
0x7: {  	s15 =	simm.s32 $0x0;
	s17 =	simm.s32 $0x0;
	s9 =	ssub.s32 s3, s2  }
0x8: {  	s4 =	sadd.s32 $0x800, s7;
	s5 =	sadd.s32 $0x600, s7;
	p0 =	sgt.s32 s9, $0x0  }
0x9: {  	s1 =	rddreg [dreg:$0x1];
	_ =	strace $0x80000047;
	s9 =	simm.s32 @!p0 $0x0  }
.Ltmp0:
0xa: {  	[sflag:s10] =	ssyncpa.u1 $0x0;
	s8 =	sand.u32 $0x1D0, s9;
	(pc) =	sbr.rel .LBB2_1-.Ltmp0, $4  }
0xb: {  	s7 =	sadd.s32 $0x200, s7;
	[sflag:s6] =	ssyncpa.u1 $0x0;
	p0 =	sne.s32 s8, $0x0  }
0xc: {  	s9 =	sshrl.u32 s9, $0x9;
	s8 =	simm.s32 $0x3;
	s10 =	simm.s32 @!p0 $0x0  }
0xd: {  	s16 =	smov.u32 s2;
	[sflag:s8] =	ssyncpa.u1 $0x0;
	s9 =	sadd.s32 s10, s9  }
0xe: {  	v0 =	vlaneseq.u32;
	vm0 =	vmmov $0xffff;
	[sflag:s11] =	ssyncpa.u1 $0x0;
	s11 =	simm.s32 $0x0;
	s10 =	sadd.s32 $0x2, s9  }
.LBB2_7:
0xf: {  	p0 =	slt.u32 s17, $0x3  }
0x10: {  	s18 =	simm.s32 @!p0 $0x4  }
0x11: {  	_ =	swait.ge @!p0 [sflag:s18], $0x80  }
0x12: {  	s19 =	sadd.s32 $0x200, s16;
	[sflag:s18] =	ssyncset.done @!p0 $0x0  }
0x13: {  	s20 =	smov.u32 s2;
	[sflag:s18] =	ssyncadd.s32 @!p0 $0xFFFFFF80;
	p0 =	slt.s32 s19, s3  }
0x14: {  	s20 =	smov.u32 @p0 s19;
	p0 =	sne.s32 s17, s10  }
.Ltmp1:
0x15: {  	_ = 	snop;
	(pc) =	sbr.rel @!p0 .LBB2_8-.Ltmp1, $4  }
0x16: {  	_ = 	snop  }
0x17: {  	s31 =	sadd.s32 $0x1, s17;
	s12 =	sadd.s32 $0x800, s12  }
0x18: {  	s13 =	sadd.s32 $0x200, s13;
	s14 =	sadd.s32 $0x1, s14;
	s18 =	smov.u32 s15  }
0x19: {  	s15 =	smov.u32 s16;
	s17 =	smov.u32 s31;
	s16 =	smov.u32 s20  }
.LBB2_1:
0x1a: {  	p0 =	sge.u32 s17, s9  }
0x1b: {  	s19 =	smulhi.u32 @!p0 $0xAAAAAAAB, s17;
	_ =	sdelay $0x1  }
0x1c: {  	s19 =	sshrl.u32 @!p0 s19, $0x1  }
0x1d: {  	s19 =	smul.u32 @!p0 $0x3, s19;
	_ =	sdelay $0x1  }
0x1e: {  	s31 =	sadd.s32 $0xFFFFFFFF, s17;
	s20 =	sshrl.u32 @!p0 s16, $0x3;
	s19 =	ssub.s32 @!p0 s17, s19  }
0x1f: {  	s21 =	sand.u32 @!p0 $0x7, s16;
	s20 =	sadd.s32 @!p0 s5, s20;
	s19 =	sshll.u32 @!p0 s19, $0x9  }
0x20: {  	[tilespmem:s19], [sflag:$0x2] =	stream.linear.gather @!p0 [hbm4b:s20+s21], $0x200, $0x38;
	[tilespmem:$0xB00] =	vst v63  }
0x21: {  	p0 =	sge.u32 s31, s9  }
.Ltmp2:
0x22: {  	_ = 	snop;
	(pc) =	sbr.rel @p0 .LBB2_5-.Ltmp2, $1  }
0x23: {  	_ =	sdelay $0x3  }
0x24: {  	s19 =	smulhi.u32 $0xAAAAAAAB, s14;
	_ =	sdelay $0x1  }
0x25: {  	s19 =	sshrl.u32 s19, $0x1  }
0x26: {  	s19 =	smul.u32 $0xFFFFE800, s19;
	_ =	sdelay $0x1  }
0x27: {  	_ =	swait.ge [sflag:s6], $0x200;
	s19 =	sshra.s32 s19, $0x2  }
0x28: {  	[sflag:s6] =	ssyncset.done $0x0;
	s20 =	sadd.s32 s19, s13  }
0x29: {  	[sflag:s6] =	ssyncadd.s32 $0xFFFFFE00;
	(ifvalue) =	ssetifvalue $0x7FFFFFFF;
	v1 =	vld.msk [tilespmem:s20+$0x0 ss:$0x1], $0xffff  }
0x2a: {  	s21 =	sadd.s32 $0x10, s20  }
0x2b: {  	v2 =	vld.msk [tilespmem:s21+$0x0 ss:$0x1], $0xffff;
	_ =	sdelay $0x1  }
0x2c: {  	s19 =	ssub.s32 $0x7D0, s15  }
0x2d: {  	p0 =	slt.s32 s19, $0x200;
	vm1 =	vgt.s32 v1, $0x0  }
0x2e: {  	s19 =	simm.s32 @!p0 $0x200;
	v1 =	vnsel vm1, $0x0, v1  }
0x2f: {  	p0 =	sgt.s32 s19, $0x0;
	s22 =	smov.u32 s19;
	vm1 =	vgt.s32 v2, $0x0;
	v1 =	vmin.u32 v1, $0x7CF  }
0x30: {  	s22 =	simm.s32 @!p0 $0x0;
	v2 =	vnsel vm1, $0x0, v2;
	v4 =	vshll.u32 v1, $0x2  }
0x31: {  	s22 =	smin.u32 s22, $0x10;
	v3 =	vshrl.u32 v1, $0x7;
	v1 =	vand.u32 $0x600, v1;
	v4 =	vand.u32 $0x1FC, v4  }
0x32: {  	v5 =	vmin.u32 v2, $0x7CF;
	v2 =	vmov s22;
	v1 =	vor.u32 v1, v4  }
0x33: {  	vm1 =	vgt.u32 v2, v0;
	v1 =	vshrl.u32 v1, $0x2  }
0x34: {  	s30 =	sshrl.u32 s12, $0x2;
	s23 =	sadd.s32 $0xFFFFFFF0, s19;
	v1 =	vnsel vm1, $0x7FFFFFFF, v1  }
0x35: {  	s19 =	sadd.s32 $0x10, s21;
	p0 =	sgt.s32 s23, $0x0;
	s25 =	smov.u32 s23;
	v3 =	vand.u32 $0x3, v3  }
0x36: {  	s31 =	sand.u32 $0x200, s30;
	s25 =	simm.s32 @!p0 $0x0;
	v2 =	vld.msk [tilespmem:s19+$0x0 ss:$0x1], $0xffff;
	v4 =	vshrl.u32 v5, $0x7;
	[tilespmem:s20+$0x0] =	vst v3;
	v3 =	vshll.u32 v5, $0x2  }
0x37: {  	s24 =	simm.s32 $0x30;
	s25 =	smin.u32 s25, $0x10;
	s22 =	sadd.s32 $0x600, s31;
	v5 =	vand.u32 $0x600, v5;
	v4 =	vand.u32 $0x3, v4;
	v6 =	vand.u32 $0x1FC, v3  }
0x38: {  	s20 =	sadd.s32 $0x10, s19;
	v3 =	vmov s25;
	[tilespmem:s21+$0x0] =	vst v4;
	v4 =	vor.u32 v5, v6;
	(ifvalue) =	ssetifvalue $0x7FFFFFFF;
	s21 =	sadd.s32 $0x10, s22  }
.LBB2_3:
0x39: {  	[tilespmem:s22], [sflag:$0x3] =	stream.indirect_vreg.gather [hbm4b:s4+s11], $0x1, v1, vm0, $0x4038;
	[tilespmem:$0xB00] =	vst v63  }
0x3a: {  	s24 =	sadd.s32 $0x10, s24  }
0x3b: {  	vm1 =	vgt.s32 v2, $0x0;
	vm2 =	vgt.u32 v3, v0;
	v3 =	vshrl.u32 v4, $0x2;
	v1 =	vmovc v2;
	v2 =	vld.msk [tilespmem:s20+$0x0 ss:$0x1], $0xffff;
	p0 =	slt.u32 s24, $0x1F0  }
.Ltmp3:
0x3c: {  	s23 =	sadd.s32 $0xFFFFFFF0, s23;
	v4 =	vnsel vm1, $0x0, v1;
	v1 =	vnsel vm2, $0x7FFFFFFF, v3;
	(pc) =	sbr.rel @p0 .LBB2_3-.Ltmp3, $4  }
0x3d: {  	s25 =	smov.u32 s19;
	p1 =	sgt.s32 s23, $0x0;
	s26 =	smov.u32 s23;
	v3 =	vmin.u32 v4, $0x7CF  }
0x3e: {  	s19 =	smov.u32 s20;
	s22 =	smov.u32 s21;
	s26 =	simm.s32 @!p1 $0x0;
	v4 =	vshrl.u32 v3, $0x7;
	v5 =	vshll.u32 v3, $0x2  }
0x3f: {  	s26 =	smin.u32 s26, $0x10;
	v6 =	vand.u32 $0x3, v4;
	v4 =	vand.u32 $0x600, v3;
	v5 =	vand.u32 $0x1FC, v5  }
0x40: {  	s20 =	sadd.s32 $0x10, s20;
	s21 =	sadd.s32 $0x10, s21;
	v3 =	vmov s26;
	v4 =	vor.u32 v4, v5;
	[tilespmem:s25+$0x0] =	vst v6;
	(ifvalue) =	ssetifvalue $0x7FFFFFFF  }
0x41: {  	v5 =	vld.msk [tilespmem:s20+$0x0 ss:$0x1], $0xffff;
	_ =	sdelay $0x1  }
0x42: {  	s23 =	sadd.s32 $0xFFFFFFF0, s23;
	vm1 =	vgt.s32 v2, $0x0  }
0x43: {  	p0 =	sgt.s32 s23, $0x0;
	s24 =	smov.u32 s23;
	v2 =	vnsel vm1, $0x0, v2;
	vm1 =	vgt.u32 v3, v0;
	v3 =	vshrl.u32 v4, $0x2  }
0x44: {  	s24 =	simm.s32 @!p0 $0x0;
	v2 =	vmin.u32 v2, $0x7CF;
	v3 =	vnsel vm1, $0x7FFFFFFF, v3  }
0x45: {  	s24 =	smin.u32 s24, $0x10;
	v60 =	vshll.u32 v2, $0x2;
	v7 =	vand.u32 $0x600, v2;
	vm1 =	vgt.s32 v5, $0x0  }
0x46: {  	s23 =	sadd.s32 $0xFFFFFFF0, s23;
	v2 =	vshrl.u32 v2, $0x7;
	v6 =	vmov s24;
	v5 =	vnsel vm1, $0x0, v5  }
0x47: {  	p0 =	sgt.s32 s23, $0x0;
	v4 =	vand.u32 $0x1FC, v60;
	v2 =	vand.u32 $0x3, v2;
	v5 =	vmin.u32 v5, $0x7CF  }
0x48: {  	s23 =	simm.s32 @!p0 $0x0;
	v4 =	vor.u32 v7, v4;
	vm1 =	vgt.u32 v6, v0;
	v61 =	vshll.u32 v5, $0x2  }
0x49: {  	s23 =	smin.u32 s23, $0x10;
	v4 =	vshrl.u32 v4, $0x2;
	v62 =	vand.u32 $0x600, v5;
	v6 =	vand.u32 $0x1FC, v61  }
0x4a: {  	v63 =	vmov s23;
	v4 =	vnsel vm1, $0x7FFFFFFF, v4;
	v6 =	vor.u32 v62, v6  }
0x4b: {  	[tilespmem:s22], [sflag:$0x3] =	stream.indirect_vreg.gather [hbm4b:s4+s11], $0x1, v1, vm0, $0x4038;
	[tilespmem:s19+$0x0] =	vst v2;
	vm1 =	vgt.u32 v63, v0;
	v2 =	vshrl.u32 v6, $0x2  }
0x4c: {  	(ifvalue) =	ssetifvalue $0x7FFFFFFF;
	v1 =	vshrl.u32 v5, $0x7;
	v2 =	vnsel vm1, $0x7FFFFFFF, v2  }
0x4d: {  	[tilespmem:s21], [sflag:$0x3] =	stream.indirect_vreg.gather [hbm4b:s4+s11], $0x1, v3, vm0, $0x4038;
	v1 =	vand.u32 $0x3, v1;
	[tilespmem:$0xB00] =	vst v63  }
0x4e: {  	s31 =	sadd.s32 $0x10, s21;
	[tilespmem:s20+$0x0] =	vst v1;
	(ifvalue) =	ssetifvalue $0x7FFFFFFF  }
0x4f: {  	[tilespmem:s31], [sflag:$0x3] =	stream.indirect_vreg.gather [hbm4b:s4+s11], $0x1, v4, vm0, $0x4038;
	[tilespmem:$0xB00] =	vst v63  }
0x50: {  	s19 =	sadd.s32 $0x10, s31;
	(ifvalue) =	ssetifvalue $0x7FFFFFFF  }
0x51: {  	[tilespmem:s19], [sflag:$0x3] =	stream.indirect_vreg.gather [hbm4b:s4+s11], $0x1, v2, vm0, $0x4038;
	[tilespmem:$0xB00] =	vst v63  }
.LBB2_5:
0x52: {  	p0 =	slt.u32 s17, $0x2  }
0x53: {  	p1 =	sge.u32 @!p0 s17, s10  }
0x54: {  	p0 =	por p0, p1  }
.Ltmp4:
0x55: {  	_ = 	snop;
	(pc) =	sbr.rel @p0 .LBB2_7-.Ltmp4, $1  }
0x56: {  	_ =	sdelay $0x3  }
0x57: {  	s19 =	sadd.s32 $0xFFFFFFFE, s17  }
0x58: {  	s20 =	smulhi.u32 $0xAAAAAAAB, s19  }
0x59: {  	_ =	swait.ge [sflag:s8], $0x200  }
0x5a: {  	s21 =	sand.u32 $0x1, s17;
	[sflag:s8] =	ssyncset.done $0x0;
	s20 =	sshrl.u32 s20, $0x1  }
0x5b: {  	s28 =	sshll.u32 s21, $0x9;
	[sflag:s8] =	ssyncadd.s32 $0xFFFFFE00;
	s20 =	smul.u32 $0x3, s20  }
0x5c: {  	v1 =	vld [tilespmem:s28+$0x600]  }
0x5d: {  	v3 =	vld [tilespmem:s28+$0x680];
	s20 =	ssub.s32 s19, s20  }
0x5e: {  	v6 =	vld [tilespmem:s28+$0x700];
	s20 =	sshll.u32 s20, $0x9  }
0x5f: {  	v2 =	vld [tilespmem:s20+$0x0]  }
0x60: {  	v4 =	vld [tilespmem:s20+$0x80]  }
0x61: {  	v5 =	vld [tilespmem:s20+$0x100]  }
0x62: {  	v7 =	vld [tilespmem:s20+$0x180];
	_ =	sdelay $0x1  }
0x63: {  	v8 =	vld [tilespmem:s28+$0x780]  }
0x64: {  	v2 =	vshll.u32 v2, $0x3;
	v4 =	vshll.u32 v4, $0x3  }
0x65: {  	v1 =	vshrl.u32 v1, v2;
	v2 =	vshrl.u32 v3, v4;
	v3 =	vshll.u32 v5, $0x3  }
0x66: {  	v21 =	vshll.u32 v7, $0x3;
	v2 =	vshll.u32 v2, $0x8;
	v3 =	vshrl.u32 v6, v3  }
0x67: {  	v1 =	vand.u32 $0xFF, v1;
	v2 =	vand.u32 $0xFF00, v2;
	v3 =	vshll.u32 v3, $0x10  }
0x68: {  	v1 =	vor.u32 v1, v2;
	v2 =	vand.u32 $0xFF0000, v3;
	v3 =	vshrl.u32 v8, v21  }
0x69: {  	v1 =	vor.u32 v2, v1;
	v2 =	vshll.u32 v3, $0x18  }
0x6a: {  	s21 =	sshll.u32 s21, $0x7;
	v1 =	vor.u32 v2, v1  }
0x6b: {  	[tilespmem:s21+$0xA00] =	vst v1  }
0x6c: {  	v1 =	vld [tilespmem:s28+$0x610]  }
0x6d: {  	v2 =	vld [tilespmem:s20+$0x10]  }
0x6e: {  	v3 =	vld [tilespmem:s28+$0x690]  }
0x6f: {  	v22 =	vld [tilespmem:s20+$0x90]  }
0x70: {  	v23 =	vld [tilespmem:s20+$0x110]  }
0x71: {  	v24 =	vld [tilespmem:s28+$0x710]  }
0x72: {  	v25 =	vld [tilespmem:s20+$0x190];
	_ =	sdelay $0x1  }
0x73: {  	v26 =	vld [tilespmem:s28+$0x790]  }
0x74: {  	v2 =	vshll.u32 v2, $0x3;
	v4 =	vshll.u32 v22, $0x3  }
0x75: {  	v1 =	vshrl.u32 v1, v2;
	v2 =	vshrl.u32 v3, v4;
	v3 =	vshll.u32 v23, $0x3  }
0x76: {  	v27 =	vshll.u32 v25, $0x3;
	v2 =	vshll.u32 v2, $0x8;
	v3 =	vshrl.u32 v24, v3  }
0x77: {  	v1 =	vand.u32 $0xFF, v1;
	v2 =	vand.u32 $0xFF00, v2;
	v3 =	vshll.u32 v3, $0x10  }
0x78: {  	v1 =	vor.u32 v1, v2;
	v2 =	vand.u32 $0xFF0000, v3;
	v3 =	vshrl.u32 v26, v27  }
0x79: {  	v1 =	vor.u32 v2, v1;
	v2 =	vshll.u32 v3, $0x18  }
0x7a: {  	v1 =	vor.u32 v2, v1  }
0x7b: {  	[tilespmem:s21+$0xA10] =	vst v1  }
0x7c: {  	v1 =	vld [tilespmem:s28+$0x620]  }
0x7d: {  	v2 =	vld [tilespmem:s20+$0x20]  }
0x7e: {  	v3 =	vld [tilespmem:s28+$0x6A0]  }
0x7f: {  	v28 =	vld [tilespmem:s20+$0xA0]  }
0x80: {  	v29 =	vld [tilespmem:s20+$0x120]  }
0x81: {  	v30 =	vld [tilespmem:s28+$0x720]  }
0x82: {  	v31 =	vld [tilespmem:s20+$0x1A0];
	_ =	sdelay $0x1  }
0x83: {  	v32 =	vld [tilespmem:s28+$0x7A0]  }
0x84: {  	v2 =	vshll.u32 v2, $0x3;
	v4 =	vshll.u32 v28, $0x3  }
0x85: {  	v1 =	vshrl.u32 v1, v2;
	v2 =	vshrl.u32 v3, v4;
	v3 =	vshll.u32 v29, $0x3  }
0x86: {  	v33 =	vshll.u32 v31, $0x3;
	v2 =	vshll.u32 v2, $0x8;
	v3 =	vshrl.u32 v30, v3  }
0x87: {  	v1 =	vand.u32 $0xFF, v1;
	v2 =	vand.u32 $0xFF00, v2;
	v3 =	vshll.u32 v3, $0x10  }
0x88: {  	v1 =	vor.u32 v1, v2;
	v2 =	vand.u32 $0xFF0000, v3;
	v3 =	vshrl.u32 v32, v33  }
0x89: {  	v1 =	vor.u32 v2, v1;
	v2 =	vshll.u32 v3, $0x18  }
0x8a: {  	v1 =	vor.u32 v2, v1  }
0x8b: {  	[tilespmem:s21+$0xA20] =	vst v1  }
0x8c: {  	v1 =	vld [tilespmem:s28+$0x630]  }
0x8d: {  	v2 =	vld [tilespmem:s20+$0x30]  }
0x8e: {  	v3 =	vld [tilespmem:s28+$0x6B0]  }
0x8f: {  	v34 =	vld [tilespmem:s20+$0xB0]  }
0x90: {  	v35 =	vld [tilespmem:s20+$0x130]  }
0x91: {  	v36 =	vld [tilespmem:s28+$0x730]  }
0x92: {  	v37 =	vld [tilespmem:s20+$0x1B0];
	_ =	sdelay $0x1  }
0x93: {  	v38 =	vld [tilespmem:s28+$0x7B0]  }
0x94: {  	v2 =	vshll.u32 v2, $0x3;
	v4 =	vshll.u32 v34, $0x3  }
0x95: {  	v1 =	vshrl.u32 v1, v2;
	v2 =	vshrl.u32 v3, v4;
	v3 =	vshll.u32 v35, $0x3  }
0x96: {  	v39 =	vshll.u32 v37, $0x3;
	v2 =	vshll.u32 v2, $0x8;
	v3 =	vshrl.u32 v36, v3  }
0x97: {  	v1 =	vand.u32 $0xFF, v1;
	v2 =	vand.u32 $0xFF00, v2;
	v3 =	vshll.u32 v3, $0x10  }
0x98: {  	v1 =	vor.u32 v1, v2;
	v2 =	vand.u32 $0xFF0000, v3;
	v3 =	vshrl.u32 v38, v39  }
0x99: {  	v1 =	vor.u32 v2, v1;
	v2 =	vshll.u32 v3, $0x18  }
0x9a: {  	v1 =	vor.u32 v2, v1  }
0x9b: {  	[tilespmem:s21+$0xA30] =	vst v1  }
0x9c: {  	v1 =	vld [tilespmem:s28+$0x640]  }
0x9d: {  	v2 =	vld [tilespmem:s20+$0x40]  }
0x9e: {  	v3 =	vld [tilespmem:s28+$0x6C0]  }
0x9f: {  	v40 =	vld [tilespmem:s20+$0xC0]  }
0xa0: {  	v41 =	vld [tilespmem:s20+$0x140]  }
0xa1: {  	v42 =	vld [tilespmem:s28+$0x740]  }
0xa2: {  	v43 =	vld [tilespmem:s20+$0x1C0];
	_ =	sdelay $0x1  }
0xa3: {  	v44 =	vld [tilespmem:s28+$0x7C0]  }
0xa4: {  	v2 =	vshll.u32 v2, $0x3;
	v4 =	vshll.u32 v40, $0x3  }
0xa5: {  	v1 =	vshrl.u32 v1, v2;
	v2 =	vshrl.u32 v3, v4;
	v3 =	vshll.u32 v41, $0x3  }
0xa6: {  	v45 =	vshll.u32 v43, $0x3;
	v2 =	vshll.u32 v2, $0x8;
	v3 =	vshrl.u32 v42, v3  }
0xa7: {  	v1 =	vand.u32 $0xFF, v1;
	v2 =	vand.u32 $0xFF00, v2;
	v3 =	vshll.u32 v3, $0x10  }
0xa8: {  	v1 =	vor.u32 v1, v2;
	v2 =	vand.u32 $0xFF0000, v3;
	v3 =	vshrl.u32 v44, v45  }
0xa9: {  	v1 =	vor.u32 v2, v1;
	v2 =	vshll.u32 v3, $0x18  }
0xaa: {  	v1 =	vor.u32 v2, v1  }
0xab: {  	[tilespmem:s21+$0xA40] =	vst v1  }
0xac: {  	v1 =	vld [tilespmem:s28+$0x650]  }
0xad: {  	v2 =	vld [tilespmem:s20+$0x50]  }
0xae: {  	v3 =	vld [tilespmem:s28+$0x6D0]  }
0xaf: {  	v46 =	vld [tilespmem:s20+$0xD0]  }
0xb0: {  	v47 =	vld [tilespmem:s20+$0x150]  }
0xb1: {  	v48 =	vld [tilespmem:s28+$0x750]  }
0xb2: {  	v49 =	vld [tilespmem:s20+$0x1D0];
	_ =	sdelay $0x1  }
0xb3: {  	v50 =	vld [tilespmem:s28+$0x7D0]  }
0xb4: {  	v2 =	vshll.u32 v2, $0x3;
	v4 =	vshll.u32 v46, $0x3  }
0xb5: {  	v1 =	vshrl.u32 v1, v2;
	v2 =	vshrl.u32 v3, v4;
	v3 =	vshll.u32 v47, $0x3  }
0xb6: {  	v51 =	vshll.u32 v49, $0x3;
	v2 =	vshll.u32 v2, $0x8;
	v3 =	vshrl.u32 v48, v3  }
0xb7: {  	v1 =	vand.u32 $0xFF, v1;
	v2 =	vand.u32 $0xFF00, v2;
	v3 =	vshll.u32 v3, $0x10  }
0xb8: {  	v1 =	vor.u32 v1, v2;
	v2 =	vand.u32 $0xFF0000, v3;
	v3 =	vshrl.u32 v50, v51  }
0xb9: {  	v1 =	vor.u32 v2, v1;
	v2 =	vshll.u32 v3, $0x18  }
0xba: {  	v1 =	vor.u32 v2, v1  }
0xbb: {  	[tilespmem:s21+$0xA50] =	vst v1  }
0xbc: {  	v1 =	vld [tilespmem:s28+$0x660]  }
0xbd: {  	v2 =	vld [tilespmem:s20+$0x60]  }
0xbe: {  	v3 =	vld [tilespmem:s28+$0x6E0]  }
0xbf: {  	v52 =	vld [tilespmem:s20+$0xE0]  }
0xc0: {  	v53 =	vld [tilespmem:s20+$0x160]  }
0xc1: {  	v54 =	vld [tilespmem:s28+$0x760]  }
0xc2: {  	v55 =	vld [tilespmem:s20+$0x1E0];
	_ =	sdelay $0x1  }
0xc3: {  	v56 =	vld [tilespmem:s28+$0x7E0]  }
0xc4: {  	v2 =	vshll.u32 v2, $0x3;
	v4 =	vshll.u32 v52, $0x3  }
0xc5: {  	v1 =	vshrl.u32 v1, v2;
	v2 =	vshrl.u32 v3, v4;
	v3 =	vshll.u32 v53, $0x3  }
0xc6: {  	v57 =	vshll.u32 v55, $0x3;
	v2 =	vshll.u32 v2, $0x8;
	v3 =	vshrl.u32 v54, v3  }
0xc7: {  	v1 =	vand.u32 $0xFF, v1;
	v2 =	vand.u32 $0xFF00, v2;
	v3 =	vshll.u32 v3, $0x10  }
0xc8: {  	v1 =	vor.u32 v1, v2;
	v2 =	vand.u32 $0xFF0000, v3;
	v3 =	vshrl.u32 v56, v57  }
0xc9: {  	v1 =	vor.u32 v2, v1;
	v2 =	vshll.u32 v3, $0x18  }
0xca: {  	v1 =	vor.u32 v2, v1  }
0xcb: {  	[tilespmem:s21+$0xA60] =	vst v1  }
0xcc: {  	v1 =	vld [tilespmem:s28+$0x670]  }
0xcd: {  	v2 =	vld [tilespmem:s20+$0x70]  }
0xce: {  	v3 =	vld [tilespmem:s28+$0x6F0]  }
0xcf: {  	v58 =	vld [tilespmem:s20+$0xF0]  }
0xd0: {  	v59 =	vld [tilespmem:s20+$0x170]  }
0xd1: {  	v60 =	vld [tilespmem:s28+$0x770]  }
0xd2: {  	v61 =	vld [tilespmem:s20+$0x1F0];
	_ =	sdelay $0x1  }
0xd3: {  	v62 =	vld [tilespmem:s28+$0x7F0]  }
0xd4: {  	v2 =	vshll.u32 v2, $0x3;
	v4 =	vshll.u32 v58, $0x3  }
0xd5: {  	v1 =	vshrl.u32 v1, v2;
	v2 =	vshrl.u32 v3, v4;
	v3 =	vshll.u32 v59, $0x3  }
0xd6: {  	v63 =	vshll.u32 v61, $0x3;
	v3 =	vshrl.u32 v60, v3;
	v2 =	vshll.u32 v2, $0x8  }
0xd7: {  	v1 =	vand.u32 $0xFF, v1;
	v2 =	vand.u32 $0xFF00, v2;
	v3 =	vshll.u32 v3, $0x10  }
.Ltmp5:
0xd8: {  	v1 =	vor.u32 v1, v2;
	v2 =	vshrl.u32 v62, v63;
	v3 =	vand.u32 $0xFF0000, v3;
	(pc) =	sbr.rel .LBB2_7-.Ltmp5, $4  }
0xd9: {  	v1 =	vor.u32 v3, v1;
	v2 =	vshll.u32 v2, $0x18  }
0xda: {  	s29 =	sshrl.u32 s18, $0x2;
	s30 =	sshrl.u32 s18, $0x5;
	v1 =	vor.u32 v2, v1  }
0xdb: {  	s18 =	sadd.s32 s30, s7;
	s31 =	sor.u32 $0xA00, s21;
	s19 =	sand.u32 $0x7, s29;
	[tilespmem:s21+$0xA70] =	vst v1  }
0xdc: {  	[hbm4b:s18+s19] =	stream.linear.scatter [tilespmem:s31], [sflag:$0x4], $0x80, $0x38;
	[tilespmem:$0xB00] =	vst v63  }
.LBB2_8:
0xdd: {  	_ =	sfence.sel $0x180000  }
0xde: {  	s2 =	simm.s32 $0x2;
	[bflag:$0x0] =	sbarrier.arrive $0xFFFF  }
0xdf: {  	s29 =	simm.s32 $0x3;
	[sflag:s2] =	ssyncpa.u1 $0x1  }
0xe0: {  	s30 =	simm.s32 $0x4;
	[sflag:s29] =	ssyncpa.u1 $0x1  }
0xe1: {  	s31 =	simm.s32 $0x1;
	[sflag:s30] =	ssyncpa.u1 $0x1  }
0xe2: {  	[sflag:s31] =	ssyncpa.u1 $0x1  }
0xe3: {  	p0 =	sne.s32 s0, $0x0;
	_ =	strace $0x90000047  }
0xe4: {  	s0 =	sadd.s32 @!p0 $0x100000, s1;
	[bflag:$0x2] =	sbarrier.arrive $0xFFFF  }
0xe5: {  	[sflag:s0] =	ssyncadd.tile.s32 @!p0 $0x1;
	_ =	shalt  }
.Lfunc_end2:
_tile_overlayer_lowered:
.L_overlay_start_2:
0xe6: {  	(tag) =	ssettag $0x2  }
0xe7: {  	s0 =	rddreg [dreg:$0x0];
	s2 =	stileid.u32  }
0xe8: {  	s1 =	rddreg [dreg:$0x1];
	p0 =	sne.s32 s2, $0x0  }
0xe9: {  	s3 =	rddreg [dreg:$0x2];
	[bflag:$0x3] =	sbarrier.arrive $0xFFFF;
	s2 =	simm.s32 @!p0 $0x1C01  }
0xea: {  	[timem:s3], [sflag:s2] =	dma.local @!p0 [hbm:s0], s1  }
0xeb: {  	s0 =	simm.s32 @!p0 $0x1  }
0xec: {  	_ =	swait.ge @!p0 [sflag:s0], s1  }
0xed: {  	s1 =	ssub.s32 @!p0 $0x0, s1;
	[sflag:s0] =	ssyncset.done @!p0 $0x0  }
0xee: {  	[sflag:s0] =	ssyncadd.s32 @!p0 s1  }
0xef: {  	[bflag:$0x3] =	sbarrier.arrive $0xFFFF  }
0xf0: {  	_ =	shalt  }

</sc_bundles>
